<compile_context>
chip_gen: v7x
topology: tpu7x:2x2x1
jax: 0.10.2.dev20260603
libtpu: 0.0.44.dev20260713+nightly
codegen_flags: <defaults>
</compile_context>

<pallas_src>
import functools

import jax
import jax.numpy as jnp
from jax import lax
from jax.experimental import pallas as pl
from jax.experimental.pallas import tpu as pltpu
from jax.experimental.pallas import tpu_sc as plsc

N = 10000
E = 320000
F = 128
L = 2048
NPAD = 10240
NC = 2
NS = 16
NW = NC * NS
EDGES_PER_W = E // NW
CHUNK = 80
N_CHUNKS = EDGES_PER_W // CHUNK
ROWS_PER_S = NPAD // NS

_mesh = plsc.VectorSubcoreMesh(core_axis_name="c", subcore_axis_name="s")


def _sc_scatter(emb, src2, dst3, zrows):

    @functools.partial(
        pl.kernel,
        out_type=jax.ShapeDtypeStruct((NC, NPAD, F), jnp.float32),
        mesh=_mesh,
        scratch_types=[
            pltpu.VMEM((EDGES_PER_W,), jnp.int32),
            pltpu.VMEM((N_CHUNKS, CHUNK), jnp.int32),
            pltpu.VMEM((CHUNK, F), jnp.float32),
            pltpu.VMEM((CHUNK, F), jnp.float32),
            pltpu.VMEM_SHARED((NPAD, F), jnp.float32),
            pltpu.SemaphoreType.DMA,
            pltpu.SemaphoreType.DMA,
            pltpu.SemaphoreType.DMA,
        ],
    )
    def k(emb_hbm, src_hbm, dst_hbm, z_hbm, out_hbm, src_v, dst_v, rows_a,
          rows_b, acc_sh, sem_i, sem_a, sem_b):
        c = lax.axis_index("c")
        s = lax.axis_index("s")
        w = c * NS + s

        cp_src = pltpu.make_async_copy(src_hbm.at[w], src_v, sem_i)
        cp_dst = pltpu.make_async_copy(dst_hbm.at[w], dst_v, sem_i)
        cp_z = pltpu.make_async_copy(
            z_hbm, acc_sh.at[pl.ds(s * ROWS_PER_S, ROWS_PER_S)], sem_i)
        cp_src.start()
        cp_dst.start()
        cp_z.start()
        cp_src.wait()
        cp_dst.wait()
        cp_z.wait()
        plsc.subcore_barrier()

        def gather(j, buf, sem):
            return pltpu.make_async_copy(
                emb_hbm.at[src_v.at[pl.ds(j * CHUNK, CHUNK)]], buf, sem)

        def scatter_add(j, buf):
            pltpu.sync_copy(buf, acc_sh.at[dst_v.at[j]], add=True)

        gather(0, rows_a, sem_a).start()

        @pl.loop(0, N_CHUNKS - 1, step=2)
        def _(i):
            gather(i + 1, rows_b, sem_b).start()
            gather(i, rows_a, sem_a).wait()
            scatter_add(i, rows_a)
            @pl.when(i + 2 < N_CHUNKS)
            def _():
                gather(i + 2, rows_a, sem_a).start()
            gather(i + 1, rows_b, sem_b).wait()
            scatter_add(i + 1, rows_b)

        gather(N_CHUNKS - 1, rows_a, sem_a).wait()
        scatter_add(N_CHUNKS - 1, rows_a)

        plsc.subcore_barrier()

        pltpu.sync_copy(
            acc_sh.at[pl.ds(s * ROWS_PER_S, ROWS_PER_S)],
            out_hbm.at[c].at[pl.ds(s * ROWS_PER_S, ROWS_PER_S)])

    return k(emb, src2, dst3, zrows)


_BRA = 1024
_NBA = NPAD // _BRA
_BRB = 512
_NBB = NPAD // _BRB


def _tc_embed(nf2, table):

    def body(nf_ref, t_ref, o_ref):
        oh = (nf_ref[...] == lax.broadcasted_iota(jnp.int32, (_BRA, F), 1))
        o_ref[...] = jnp.dot(oh.astype(jnp.float32), t_ref[...],
                             preferred_element_type=jnp.float32)

    return pl.pallas_call(
        body,
        grid=(_NBA,),
        in_specs=[
            pl.BlockSpec((_BRA, 1), lambda i: (i, 0)),
            pl.BlockSpec((F, F), lambda i: (0, 0)),
        ],
        out_specs=pl.BlockSpec((_BRA, F), lambda i: (i, 0)),
        out_shape=jax.ShapeDtypeStruct((NPAD, F), jnp.float32),
    )(nf2, table)


def _tc_hidden(p, emb, w_h, b_h):

    def body(p_ref, emb_ref, w_ref, b_ref, h_ref):
        agg = emb_ref[...] + p_ref[0] + p_ref[1]
        h = jnp.dot(agg, w_ref[...], preferred_element_type=jnp.float32)
        h_ref[...] = jnp.maximum(h + b_ref[...], 0.0)

    return pl.pallas_call(
        body,
        grid=(_NBA,),
        in_specs=[
            pl.BlockSpec((NC, _BRA, F), lambda i: (0, i, 0)),
            pl.BlockSpec((_BRA, F), lambda i: (i, 0)),
            pl.BlockSpec((F, F), lambda i: (0, 0)),
            pl.BlockSpec((1, F), lambda i: (0, 0)),
        ],
        out_specs=pl.BlockSpec((_BRA, F), lambda i: (i, 0)),
        out_shape=jax.ShapeDtypeStruct((NPAD, F), jnp.float32),
    )(p, emb, w_h, b_h)


def _tc_fingerprint(h, w_o, b_o, f_in, final):

    def body(h_ref, w_ref, b_ref, fin_ref, fout_ref, acc_ref):
        i = pl.program_id(0)

        @pl.when(i == 0)
        def _():
            acc_ref[...] = fin_ref[...]

        z = jnp.dot(h_ref[...], w_ref[...], preferred_element_type=jnp.float32)
        z = z + b_ref[...]
        m = jnp.max(z, axis=-1, keepdims=True)
        e = jnp.exp(z - m)
        sm = e * (1.0 / jnp.sum(e, axis=-1, keepdims=True))

        @pl.when(i < _NBB - 1)
        def _():
            acc_ref[...] += jnp.sum(sm, axis=0, keepdims=True)

        @pl.when(i == _NBB - 1)
        def _():
            row = i * _BRB + lax.broadcasted_iota(jnp.int32, (_BRB, 1), 0)
            smm = jnp.where(row < N, sm, 0.0)
            acc = acc_ref[...] + jnp.sum(smm, axis=0, keepdims=True)
            if final:
                tm = jnp.max(acc, axis=-1, keepdims=True)
                te = jnp.exp(acc - tm)
                fout_ref[...] = te * (1.0 / jnp.sum(te, axis=-1, keepdims=True))
            else:
                fout_ref[...] = acc

    return pl.pallas_call(
        body,
        grid=(_NBB,),
        in_specs=[
            pl.BlockSpec((_BRB, F), lambda i: (i, 0)),
            pl.BlockSpec((F, L), lambda i: (0, 0)),
            pl.BlockSpec((1, L), lambda i: (0, 0)),
            pl.BlockSpec((1, L), lambda i: (0, 0)),
        ],
        out_specs=pl.BlockSpec((1, L), lambda i: (0, 0)),
        out_shape=jax.ShapeDtypeStruct((1, L), jnp.float32),
        scratch_shapes=[pltpu.VMEM((1, L), jnp.float32)],
    )(h, w_o, b_o, f_in)


def kernel(node_feature, edge_index, embedding_table, W_h, b_h, W_o, b_o):
    nf = jnp.pad(node_feature.astype(jnp.int32), (0, NPAD - N))
    src = edge_index[0].astype(jnp.int32).reshape(NW, EDGES_PER_W)
    dst = edge_index[1].astype(jnp.int32).reshape(NW, N_CHUNKS, CHUNK)
    zrows = jnp.zeros((ROWS_PER_S, F), jnp.float32)

    emb = _tc_embed(nf.reshape(NPAD, 1), embedding_table)
    f = jnp.zeros((1, L), jnp.float32)
    n_rounds = W_h.shape[0]
    for l in range(n_rounds):
        p = _sc_scatter(emb, src, dst, zrows)
        h = _tc_hidden(p, emb, W_h[l], b_h[l].reshape(1, F))
        f = _tc_fingerprint(h, W_o[l], b_o[l].reshape(1, L), f,
                            final=(l == n_rounds - 1))
        emb = h
    return f.reshape(L)

# --- scband reference (transcript-rebuilt; emitter-appended) ---
"""Pipeline reference for scband-neural-fingerprint-38397007626819 (READ-ONLY COPY).

The authoritative reference and input builder live on the scoring server;
editing this copy changes nothing except your own understanding.
"""

import jax, jax.numpy as jnp
import numpy as np

N = 10000
E = 320000
NUM_FEAT = 128
F_DIM = 128
R = 3
L = 2048


def setup_inputs(seed: int = 0) -> dict:
    key = jax.random.key(seed)
    k1, k2, k3, k4, k5 = jax.random.split(key, 5)
    node_feature = jax.random.randint(k1, (N,), 0, NUM_FEAT, dtype=jnp.int64 if jax.config.jax_enable_x64 else jnp.int32)
    edge_index = jax.random.randint(k2, (2, E), 0, N, dtype=jnp.int64 if jax.config.jax_enable_x64 else jnp.int32)
    embedding_table = jax.random.normal(k3, (NUM_FEAT, F_DIM), dtype=jnp.float32) * 0.02
    W_h = jax.random.normal(k4, (R, F_DIM, F_DIM), dtype=jnp.float32) * (1.0 / np.sqrt(F_DIM))
    b_h = jnp.zeros((R, F_DIM), dtype=jnp.float32)
    W_o = jax.random.normal(k5, (R, F_DIM, L), dtype=jnp.float32) * (1.0 / np.sqrt(F_DIM))
    b_o = jnp.zeros((R, L), dtype=jnp.float32)
    return {
        "node_feature": node_feature,
        "edge_index": edge_index,
        "embedding_table": embedding_table,
        "W_h": W_h,
        "b_h": b_h,
        "W_o": W_o,
        "b_o": b_o,
    }


def reference(node_feature, edge_index, embedding_table, W_h, b_h, W_o, b_o):
    # Neural fingerprint (Duvenaud et al.): embed node features, then R rounds of
    # neighbor-sum message passing; each round adds softmax(output_fp(r)) summed
    # over nodes into fingerprint f; final softmax over f.
    emb = jnp.take(embedding_table, node_feature, axis=0)  # [N, F]
    src = edge_index[0]
    dst = edge_index[1]
    n_nodes = emb.shape[0]
    f = jnp.zeros((W_o.shape[-1],), dtype=jnp.float32)
    n_rounds = W_h.shape[0]
    for l in range(n_rounds):
        # v = self embedding + sum of neighbor embeddings (scatter-add over edges)
        msgs = jnp.take(emb, src, axis=0)  # gather [E, F]
        agg = emb + jax.ops.segment_sum(msgs, dst, num_segments=n_nodes)
        r = jax.nn.relu(agg @ W_h[l] + b_h[l])  # [N, F]
        i = jax.nn.softmax(r @ W_o[l] + b_o[l], axis=-1)  # [N, L]
        f = f + jnp.sum(i, axis=0)
        emb = r
    return jax.nn.softmax(f)

if __name__ == "__main__":
    import jax
    _d = setup_inputs()
    print(jax.jit(kernel)(*tuple(_d.values())))

</pallas_src>

<mosaic_0001>
#map = affine_map<(d0, d1) -> (0, 0)>
#map1 = affine_map<(d0, d1) -> (0, 0, 0)>
module attributes {stable_mosaic.version = 14 : i64} {
  func.func @k(%arg0: i32, %arg1: i32, %arg2: memref<10240x128xf32, #tpu.memory_space<hbm>>, %arg3: memref<32x10000xi32, #tpu.memory_space<hbm>>, %arg4: memref<32x125x80xi32, #tpu.memory_space<hbm>>, %arg5: memref<640x128xf32, #tpu.memory_space<hbm>>, %arg6: memref<2x10240x128xf32, #tpu.memory_space<hbm>>, %arg7: memref<10000xi32, #tpu.memory_space<vmem>>, %arg8: memref<125x80xi32, #tpu.memory_space<vmem>>, %arg9: memref<80x128xf32, #tpu.memory_space<vmem>>, %arg10: memref<80x128xf32, #tpu.memory_space<vmem>>, %arg11: memref<10240x128xf32, #tpu.memory_space<vmem_shared>>, %arg12: memref<!tpu.dma_semaphore, #tpu.memory_space<semaphore_mem>>, %arg13: memref<!tpu.dma_semaphore, #tpu.memory_space<semaphore_mem>>, %arg14: memref<!tpu.dma_semaphore, #tpu.memory_space<semaphore_mem>>) attributes {dimension_semantics = [#tpu.dimension_semantics<core_parallel>, #tpu.dimension_semantics<subcore_parallel>], iteration_bounds = array<i64: 2, 16>, scalar_prefetch = 0 : i64, scratch_operands = 8 : i64, tpu.core_type = #tpu.core_type<sc_vector_subcore>, window_params = [{transform_indices = #map}, {transform_indices = #map}, {transform_indices = #map1}, {transform_indices = #map}, {transform_indices = #map1}]} {
    %mul3A = arith.constant 16 : i32
    %mul3A_0 = arith.muli %arg0, %mul3A : i32
    %add3A = arith.addi %mul3A_0, %arg1 : i32
    %mul3A_1 = arith.constant 640 : i32
    %mul3A_2 = arith.muli %arg1, %mul3A_1 : i32
    %dma_start3A = arith.constant 0 : i32
    %dma_start3A_3 = tpu.memref_slice %arg3[%add3A, %dma_start3A] : memref<32x10000xi32, #tpu.memory_space<hbm>> -> memref<1x10000xi32, #tpu.memory_space<hbm>>
    %dma_start3A_4 = tpu.memref_squeeze %dma_start3A_3 : memref<1x10000xi32, #tpu.memory_space<hbm>> -> memref<10000xi32, #tpu.memory_space<hbm>>
    %dma_start3A_5 = arith.constant 0 : i32
    %dma_start3A_6 = tpu.memref_slice %arg3[%add3A, %dma_start3A_5] : memref<32x10000xi32, #tpu.memory_space<hbm>> -> memref<1x10000xi32, #tpu.memory_space<hbm>>
    %dma_start3A_7 = tpu.memref_squeeze %dma_start3A_6 : memref<1x10000xi32, #tpu.memory_space<hbm>> -> memref<10000xi32, #tpu.memory_space<hbm>>
    tpu.enqueue_dma source(%dma_start3A_7 : memref<10000xi32, #tpu.memory_space<hbm>>) target(%arg7 : memref<10000xi32, #tpu.memory_space<vmem>>) target_semaphore(%arg12 : memref<!tpu.dma_semaphore, #tpu.memory_space<semaphore_mem>>)
    %dma_start3A_8 = arith.constant 0 : i32
    %dma_start3A_9 = arith.constant 0 : i32
    %dma_start3A_10 = tpu.memref_slice %arg4[%add3A, %dma_start3A_8, %dma_start3A_9] : memref<32x125x80xi32, #tpu.memory_space<hbm>> -> memref<1x125x80xi32, #tpu.memory_space<hbm>>
    %dma_start3A_11 = tpu.memref_squeeze %dma_start3A_10 : memref<1x125x80xi32, #tpu.memory_space<hbm>> -> memref<125x80xi32, #tpu.memory_space<hbm>>
    %dma_start3A_12 = arith.constant 0 : i32
    %dma_start3A_13 = arith.constant 0 : i32
    %dma_start3A_14 = tpu.memref_slice %arg4[%add3A, %dma_start3A_12, %dma_start3A_13] : memref<32x125x80xi32, #tpu.memory_space<hbm>> -> memref<1x125x80xi32, #tpu.memory_space<hbm>>
    %dma_start3A_15 = tpu.memref_squeeze %dma_start3A_14 : memref<1x125x80xi32, #tpu.memory_space<hbm>> -> memref<125x80xi32, #tpu.memory_space<hbm>>
    tpu.enqueue_dma source(%dma_start3A_15 : memref<125x80xi32, #tpu.memory_space<hbm>>) target(%arg8 : memref<125x80xi32, #tpu.memory_space<vmem>>) target_semaphore(%arg12 : memref<!tpu.dma_semaphore, #tpu.memory_space<semaphore_mem>>)
    %dma_start3A_16 = arith.constant 0 : i32
    %dma_start3A_17 = tpu.memref_slice %arg11[%mul3A_2, %dma_start3A_16] : memref<10240x128xf32, #tpu.memory_space<vmem_shared>> -> memref<640x128xf32, #tpu.memory_space<vmem_shared>>
    tpu.enqueue_dma source(%arg5 : memref<640x128xf32, #tpu.memory_space<hbm>>) target(%dma_start3A_17 : memref<640x128xf32, #tpu.memory_space<vmem_shared>>) target_semaphore(%arg12 : memref<!tpu.dma_semaphore, #tpu.memory_space<semaphore_mem>>)
    %dma_wait3A = arith.constant 0 : i32
    %dma_wait3A_18 = tpu.memref_slice %arg3[%add3A, %dma_wait3A] : memref<32x10000xi32, #tpu.memory_space<hbm>> -> memref<1x10000xi32, #tpu.memory_space<hbm>>
    %dma_wait3A_19 = tpu.memref_squeeze %dma_wait3A_18 : memref<1x10000xi32, #tpu.memory_space<hbm>> -> memref<10000xi32, #tpu.memory_space<hbm>>
    %dma_wait3A_20 = arith.constant 0 : i32
    %dma_wait3A_21 = tpu.memref_slice %arg3[%add3A, %dma_wait3A_20] : memref<32x10000xi32, #tpu.memory_space<hbm>> -> memref<1x10000xi32, #tpu.memory_space<hbm>>
    %dma_wait3A_22 = tpu.memref_squeeze %dma_wait3A_21 : memref<1x10000xi32, #tpu.memory_space<hbm>> -> memref<10000xi32, #tpu.memory_space<hbm>>
    tpu.wait_dma2 semaphore(%arg12 : memref<!tpu.dma_semaphore, #tpu.memory_space<semaphore_mem>>) src(%dma_wait3A_22 : memref<10000xi32, #tpu.memory_space<hbm>>) dst(%arg7 : memref<10000xi32, #tpu.memory_space<vmem>>)
    %dma_wait3A_23 = arith.constant 0 : i32
    %dma_wait3A_24 = arith.constant 0 : i32
    %dma_wait3A_25 = tpu.memref_slice %arg4[%add3A, %dma_wait3A_23, %dma_wait3A_24] : memref<32x125x80xi32, #tpu.memory_space<hbm>> -> memref<1x125x80xi32, #tpu.memory_space<hbm>>
    %dma_wait3A_26 = tpu.memref_squeeze %dma_wait3A_25 : memref<1x125x80xi32, #tpu.memory_space<hbm>> -> memref<125x80xi32, #tpu.memory_space<hbm>>
    %dma_wait3A_27 = arith.constant 0 : i32
    %dma_wait3A_28 = arith.constant 0 : i32
    %dma_wait3A_29 = tpu.memref_slice %arg4[%add3A, %dma_wait3A_27, %dma_wait3A_28] : memref<32x125x80xi32, #tpu.memory_space<hbm>> -> memref<1x125x80xi32, #tpu.memory_space<hbm>>
    %dma_wait3A_30 = tpu.memref_squeeze %dma_wait3A_29 : memref<1x125x80xi32, #tpu.memory_space<hbm>> -> memref<125x80xi32, #tpu.memory_space<hbm>>
    tpu.wait_dma2 semaphore(%arg12 : memref<!tpu.dma_semaphore, #tpu.memory_space<semaphore_mem>>) src(%dma_wait3A_30 : memref<125x80xi32, #tpu.memory_space<hbm>>) dst(%arg8 : memref<125x80xi32, #tpu.memory_space<vmem>>)
    %dma_wait3A_31 = arith.constant 0 : i32
    %dma_wait3A_32 = tpu.memref_slice %arg11[%mul3A_2, %dma_wait3A_31] : memref<10240x128xf32, #tpu.memory_space<vmem_shared>> -> memref<640x128xf32, #tpu.memory_space<vmem_shared>>
    tpu.wait_dma2 semaphore(%arg12 : memref<!tpu.dma_semaphore, #tpu.memory_space<semaphore_mem>>) src(%arg5 : memref<640x128xf32, #tpu.memory_space<hbm>>) dst(%dma_wait3A_32 : memref<640x128xf32, #tpu.memory_space<vmem_shared>>)
    %barrier3A = arith.constant 0 : index
    tpu.barrier barrier_id(%barrier3A)
    %dma_start3A_33 = arith.constant 0 : i32
    %dma_start3A_34 = tpu.memref_slice %arg7[%dma_start3A_33] : memref<10000xi32, #tpu.memory_space<vmem>> -> memref<80xi32, #tpu.memory_space<vmem>>
    %dma_start3A_35 = arith.constant 0 : i32
    %dma_start3A_36 = arith.constant 0 : i32
    %dma_start3A_37 = tpu.memref_slice %arg2[%dma_start3A_35, %dma_start3A_36] : memref<10240x128xf32, #tpu.memory_space<hbm>> -> memref<10240x128xf32, #tpu.memory_space<hbm>>
    tpu.enqueue_indirect_dma source(%dma_start3A_37 : memref<10240x128xf32, #tpu.memory_space<hbm>>) target(%arg9 : memref<80x128xf32, #tpu.memory_space<vmem>>) offsets(%dma_start3A_34 : memref<80xi32, #tpu.memory_space<vmem>>) semaphore(%arg13 : memref<!tpu.dma_semaphore, #tpu.memory_space<semaphore_mem>>)
    %scan3A = arith.constant 0 : i32
    %scan3A_38 = arith.constant 62 : i32
    %scan3A_39 = arith.addi %scan3A, %scan3A_38 : i32
    %scan3A_40 = arith.constant 1 : i32
    scf.for %scan3A_52 = %scan3A to %scan3A_39 step %scan3A_40  : i32 {
      %mul3A_53 = arith.constant 2 : i32
      %mul3A_54 = arith.muli %scan3A_52, %mul3A_53 : i32
      %add3A_55 = arith.constant 0 : i32
      %add3A_56 = arith.addi %add3A_55, %mul3A_54 : i32
      %add3A_57 = arith.constant 1 : i32
      %add3A_58 = arith.addi %add3A_56, %add3A_57 : i32
      %mul3A_59 = arith.constant 80 : i32
      %mul3A_60 = arith.muli %add3A_58, %mul3A_59 : i32
      %dma_start3A_61 = tpu.memref_slice %arg7[%mul3A_60] : memref<10000xi32, #tpu.memory_space<vmem>> -> memref<80xi32, #tpu.memory_space<vmem>>
      %dma_start3A_62 = arith.constant 0 : i32
      %dma_start3A_63 = arith.constant 0 : i32
      %dma_start3A_64 = tpu.memref_slice %arg2[%dma_start3A_62, %dma_start3A_63] : memref<10240x128xf32, #tpu.memory_space<hbm>> -> memref<10240x128xf32, #tpu.memory_space<hbm>>
      tpu.enqueue_indirect_dma source(%dma_start3A_64 : memref<10240x128xf32, #tpu.memory_space<hbm>>) target(%arg10 : memref<80x128xf32, #tpu.memory_space<vmem>>) offsets(%dma_start3A_61 : memref<80xi32, #tpu.memory_space<vmem>>) semaphore(%arg14 : memref<!tpu.dma_semaphore, #tpu.memory_space<semaphore_mem>>)
      %mul3A_65 = arith.constant 80 : i32
      %mul3A_66 = arith.muli %add3A_56, %mul3A_65 : i32
      %dma_wait3A_67 = tpu.memref_slice %arg7[%mul3A_66] : memref<10000xi32, #tpu.memory_space<vmem>> -> memref<80xi32, #tpu.memory_space<vmem>>
      %dma_wait3A_68 = arith.constant 0 : i32
      %dma_wait3A_69 = arith.constant 0 : i32
      %dma_wait3A_70 = tpu.memref_slice %arg2[%dma_wait3A_68, %dma_wait3A_69] : memref<10240x128xf32, #tpu.memory_space<hbm>> -> memref<10240x128xf32, #tpu.memory_space<hbm>>
      tpu.wait_indirect_dma semaphore(%arg13 : memref<!tpu.dma_semaphore, #tpu.memory_space<semaphore_mem>>) src(%dma_wait3A_70 : memref<10240x128xf32, #tpu.memory_space<hbm>>) dst(%arg9 : memref<80x128xf32, #tpu.memory_space<vmem>>)
      "tpu.region"() ({
        %run_scoped3A_85 = tpu.sem_alloc : memref<!tpu.dma_semaphore, #tpu.memory_space<semaphore_mem>>
        %dma_start3A_86 = arith.constant 0 : i32
        %dma_start3A_87 = tpu.memref_slice %arg8[%add3A_56, %dma_start3A_86] : memref<125x80xi32, #tpu.memory_space<vmem>> -> memref<1x80xi32, #tpu.memory_space<vmem>>
        %dma_start3A_88 = tpu.memref_squeeze %dma_start3A_87 : memref<1x80xi32, #tpu.memory_space<vmem>> -> memref<80xi32, #tpu.memory_space<vmem>>
        %dma_start3A_89 = arith.constant 0 : i32
        %dma_start3A_90 = arith.constant 0 : i32
        %dma_start3A_91 = tpu.memref_slice %arg11[%dma_start3A_89, %dma_start3A_90] : memref<10240x128xf32, #tpu.memory_space<vmem_shared>> -> memref<10240x128xf32, #tpu.memory_space<vmem_shared>>
        tpu.enqueue_indirect_dma source(%arg9 : memref<80x128xf32, #tpu.memory_space<vmem>>) target(%dma_start3A_91 : memref<10240x128xf32, #tpu.memory_space<vmem_shared>>) offsets(%dma_start3A_88 : memref<80xi32, #tpu.memory_space<vmem>>) semaphore(%run_scoped3A_85 : memref<!tpu.dma_semaphore, #tpu.memory_space<semaphore_mem>>) {add = true}
        %dma_wait3A_92 = arith.constant 0 : i32
        %dma_wait3A_93 = tpu.memref_slice %arg8[%add3A_56, %dma_wait3A_92] : memref<125x80xi32, #tpu.memory_space<vmem>> -> memref<1x80xi32, #tpu.memory_space<vmem>>
        %dma_wait3A_94 = tpu.memref_squeeze %dma_wait3A_93 : memref<1x80xi32, #tpu.memory_space<vmem>> -> memref<80xi32, #tpu.memory_space<vmem>>
        %dma_wait3A_95 = arith.constant 0 : i32
        %dma_wait3A_96 = arith.constant 0 : i32
        %dma_wait3A_97 = tpu.memref_slice %arg11[%dma_wait3A_95, %dma_wait3A_96] : memref<10240x128xf32, #tpu.memory_space<vmem_shared>> -> memref<10240x128xf32, #tpu.memory_space<vmem_shared>>
        tpu.wait_indirect_dma semaphore(%run_scoped3A_85 : memref<!tpu.dma_semaphore, #tpu.memory_space<semaphore_mem>>) src(%arg9 : memref<80x128xf32, #tpu.memory_space<vmem>>) dst(%dma_wait3A_97 : memref<10240x128xf32, #tpu.memory_space<vmem_shared>>)
        tpu.yield
      }) : () -> ()
      %add3A_71 = arith.constant 2 : i32
      %add3A_72 = arith.addi %add3A_56, %add3A_71 : i32
      %lt3A = arith.constant 125 : i32
      %lt3A_73 = arith.cmpi slt, %add3A_72, %lt3A : i32
      %convert_element_type3A = arith.extui %lt3A_73 : i1 to i32
      %cond3A = arith.constant 0 : i32
      %cond3A_74 = arith.cmpi ne, %convert_element_type3A, %cond3A : i32
      scf.if %cond3A_74 {
        %add3A_85 = arith.constant 2 : i32
        %add3A_86 = arith.addi %add3A_56, %add3A_85 : i32
        %mul3A_87 = arith.constant 80 : i32
        %mul3A_88 = arith.muli %add3A_86, %mul3A_87 : i32
        %dma_start3A_89 = tpu.memref_slice %arg7[%mul3A_88] : memref<10000xi32, #tpu.memory_space<vmem>> -> memref<80xi32, #tpu.memory_space<vmem>>
        %dma_start3A_90 = arith.constant 0 : i32
        %dma_start3A_91 = arith.constant 0 : i32
        %dma_start3A_92 = tpu.memref_slice %arg2[%dma_start3A_90, %dma_start3A_91] : memref<10240x128xf32, #tpu.memory_space<hbm>> -> memref<10240x128xf32, #tpu.memory_space<hbm>>
        tpu.enqueue_indirect_dma source(%dma_start3A_92 : memref<10240x128xf32, #tpu.memory_space<hbm>>) target(%arg9 : memref<80x128xf32, #tpu.memory_space<vmem>>) offsets(%dma_start3A_89 : memref<80xi32, #tpu.memory_space<vmem>>) semaphore(%arg13 : memref<!tpu.dma_semaphore, #tpu.memory_space<semaphore_mem>>)
      } else {
      }
      %add3A_75 = arith.constant 1 : i32
      %add3A_76 = arith.addi %add3A_56, %add3A_75 : i32
      %mul3A_77 = arith.constant 80 : i32
      %mul3A_78 = arith.muli %add3A_76, %mul3A_77 : i32
      %dma_wait3A_79 = tpu.memref_slice %arg7[%mul3A_78] : memref<10000xi32, #tpu.memory_space<vmem>> -> memref<80xi32, #tpu.memory_space<vmem>>
      %dma_wait3A_80 = arith.constant 0 : i32
      %dma_wait3A_81 = arith.constant 0 : i32
      %dma_wait3A_82 = tpu.memref_slice %arg2[%dma_wait3A_80, %dma_wait3A_81] : memref<10240x128xf32, #tpu.memory_space<hbm>> -> memref<10240x128xf32, #tpu.memory_space<hbm>>
      tpu.wait_indirect_dma semaphore(%arg14 : memref<!tpu.dma_semaphore, #tpu.memory_space<semaphore_mem>>) src(%dma_wait3A_82 : memref<10240x128xf32, #tpu.memory_space<hbm>>) dst(%arg10 : memref<80x128xf32, #tpu.memory_space<vmem>>)
      %add3A_83 = arith.constant 1 : i32
      %add3A_84 = arith.addi %add3A_56, %add3A_83 : i32
      "tpu.region"() ({
        %run_scoped3A_85 = tpu.sem_alloc : memref<!tpu.dma_semaphore, #tpu.memory_space<semaphore_mem>>
        %dma_start3A_86 = arith.constant 0 : i32
        %dma_start3A_87 = tpu.memref_slice %arg8[%add3A_84, %dma_start3A_86] : memref<125x80xi32, #tpu.memory_space<vmem>> -> memref<1x80xi32, #tpu.memory_space<vmem>>
        %dma_start3A_88 = tpu.memref_squeeze %dma_start3A_87 : memref<1x80xi32, #tpu.memory_space<vmem>> -> memref<80xi32, #tpu.memory_space<vmem>>
        %dma_start3A_89 = arith.constant 0 : i32
        %dma_start3A_90 = arith.constant 0 : i32
        %dma_start3A_91 = tpu.memref_slice %arg11[%dma_start3A_89, %dma_start3A_90] : memref<10240x128xf32, #tpu.memory_space<vmem_shared>> -> memref<10240x128xf32, #tpu.memory_space<vmem_shared>>
        tpu.enqueue_indirect_dma source(%arg10 : memref<80x128xf32, #tpu.memory_space<vmem>>) target(%dma_start3A_91 : memref<10240x128xf32, #tpu.memory_space<vmem_shared>>) offsets(%dma_start3A_88 : memref<80xi32, #tpu.memory_space<vmem>>) semaphore(%run_scoped3A_85 : memref<!tpu.dma_semaphore, #tpu.memory_space<semaphore_mem>>) {add = true}
        %dma_wait3A_92 = arith.constant 0 : i32
        %dma_wait3A_93 = tpu.memref_slice %arg8[%add3A_84, %dma_wait3A_92] : memref<125x80xi32, #tpu.memory_space<vmem>> -> memref<1x80xi32, #tpu.memory_space<vmem>>
        %dma_wait3A_94 = tpu.memref_squeeze %dma_wait3A_93 : memref<1x80xi32, #tpu.memory_space<vmem>> -> memref<80xi32, #tpu.memory_space<vmem>>
        %dma_wait3A_95 = arith.constant 0 : i32
        %dma_wait3A_96 = arith.constant 0 : i32
        %dma_wait3A_97 = tpu.memref_slice %arg11[%dma_wait3A_95, %dma_wait3A_96] : memref<10240x128xf32, #tpu.memory_space<vmem_shared>> -> memref<10240x128xf32, #tpu.memory_space<vmem_shared>>
        tpu.wait_indirect_dma semaphore(%run_scoped3A_85 : memref<!tpu.dma_semaphore, #tpu.memory_space<semaphore_mem>>) src(%arg10 : memref<80x128xf32, #tpu.memory_space<vmem>>) dst(%dma_wait3A_97 : memref<10240x128xf32, #tpu.memory_space<vmem_shared>>)
        tpu.yield
      }) : () -> ()
    }
    %scan3A_41 = arith.constant 62 : i32
    %dma_wait3A_42 = arith.constant 9920 : i32
    %dma_wait3A_43 = tpu.memref_slice %arg7[%dma_wait3A_42] : memref<10000xi32, #tpu.memory_space<vmem>> -> memref<80xi32, #tpu.memory_space<vmem>>
    %dma_wait3A_44 = arith.constant 0 : i32
    %dma_wait3A_45 = arith.constant 0 : i32
    %dma_wait3A_46 = tpu.memref_slice %arg2[%dma_wait3A_44, %dma_wait3A_45] : memref<10240x128xf32, #tpu.memory_space<hbm>> -> memref<10240x128xf32, #tpu.memory_space<hbm>>
    tpu.wait_indirect_dma semaphore(%arg13 : memref<!tpu.dma_semaphore, #tpu.memory_space<semaphore_mem>>) src(%dma_wait3A_46 : memref<10240x128xf32, #tpu.memory_space<hbm>>) dst(%arg9 : memref<80x128xf32, #tpu.memory_space<vmem>>)
    %run_scoped3A = arith.constant 124 : i32
    "tpu.region"() ({
      %run_scoped3A_52 = tpu.sem_alloc : memref<!tpu.dma_semaphore, #tpu.memory_space<semaphore_mem>>
      %dma_start3A_53 = arith.constant 0 : i32
      %dma_start3A_54 = tpu.memref_slice %arg8[%run_scoped3A, %dma_start3A_53] : memref<125x80xi32, #tpu.memory_space<vmem>> -> memref<1x80xi32, #tpu.memory_space<vmem>>
      %dma_start3A_55 = tpu.memref_squeeze %dma_start3A_54 : memref<1x80xi32, #tpu.memory_space<vmem>> -> memref<80xi32, #tpu.memory_space<vmem>>
      %dma_start3A_56 = arith.constant 0 : i32
      %dma_start3A_57 = arith.constant 0 : i32
      %dma_start3A_58 = tpu.memref_slice %arg11[%dma_start3A_56, %dma_start3A_57] : memref<10240x128xf32, #tpu.memory_space<vmem_shared>> -> memref<10240x128xf32, #tpu.memory_space<vmem_shared>>
      tpu.enqueue_indirect_dma source(%arg9 : memref<80x128xf32, #tpu.memory_space<vmem>>) target(%dma_start3A_58 : memref<10240x128xf32, #tpu.memory_space<vmem_shared>>) offsets(%dma_start3A_55 : memref<80xi32, #tpu.memory_space<vmem>>) semaphore(%run_scoped3A_52 : memref<!tpu.dma_semaphore, #tpu.memory_space<semaphore_mem>>) {add = true}
      %dma_wait3A_59 = arith.constant 0 : i32
      %dma_wait3A_60 = tpu.memref_slice %arg8[%run_scoped3A, %dma_wait3A_59] : memref<125x80xi32, #tpu.memory_space<vmem>> -> memref<1x80xi32, #tpu.memory_space<vmem>>
      %dma_wait3A_61 = tpu.memref_squeeze %dma_wait3A_60 : memref<1x80xi32, #tpu.memory_space<vmem>> -> memref<80xi32, #tpu.memory_space<vmem>>
      %dma_wait3A_62 = arith.constant 0 : i32
      %dma_wait3A_63 = arith.constant 0 : i32
      %dma_wait3A_64 = tpu.memref_slice %arg11[%dma_wait3A_62, %dma_wait3A_63] : memref<10240x128xf32, #tpu.memory_space<vmem_shared>> -> memref<10240x128xf32, #tpu.memory_space<vmem_shared>>
      tpu.wait_indirect_dma semaphore(%run_scoped3A_52 : memref<!tpu.dma_semaphore, #tpu.memory_space<semaphore_mem>>) src(%arg9 : memref<80x128xf32, #tpu.memory_space<vmem>>) dst(%dma_wait3A_64 : memref<10240x128xf32, #tpu.memory_space<vmem_shared>>)
      tpu.yield
    }) : () -> ()
    %barrier3A_47 = arith.constant 0 : index
    tpu.barrier barrier_id(%barrier3A_47)
    %mul3A_48 = arith.constant 640 : i32
    %mul3A_49 = arith.muli %arg1, %mul3A_48 : i32
    %mul3A_50 = arith.constant 640 : i32
    %mul3A_51 = arith.muli %arg1, %mul3A_50 : i32
    "tpu.region"() ({
      %run_scoped3A_52 = tpu.sem_alloc : memref<!tpu.dma_semaphore, #tpu.memory_space<semaphore_mem>>
      %dma_start3A_53 = arith.constant 0 : i32
      %dma_start3A_54 = arith.constant 0 : i32
      %dma_start3A_55 = tpu.memref_slice %arg6[%arg0, %dma_start3A_53, %dma_start3A_54] : memref<2x10240x128xf32, #tpu.memory_space<hbm>> -> memref<1x10240x128xf32, #tpu.memory_space<hbm>>
      %dma_start3A_56 = tpu.memref_squeeze %dma_start3A_55 : memref<1x10240x128xf32, #tpu.memory_space<hbm>> -> memref<10240x128xf32, #tpu.memory_space<hbm>>
      %dma_start3A_57 = arith.constant 0 : i32
      %dma_start3A_58 = tpu.memref_slice %dma_start3A_56[%mul3A_51, %dma_start3A_57] : memref<10240x128xf32, #tpu.memory_space<hbm>> -> memref<640x128xf32, #tpu.memory_space<hbm>>
      %dma_start3A_59 = arith.constant 0 : i32
      %dma_start3A_60 = tpu.memref_slice %arg11[%mul3A_49, %dma_start3A_59] : memref<10240x128xf32, #tpu.memory_space<vmem_shared>> -> memref<640x128xf32, #tpu.memory_space<vmem_shared>>
      tpu.enqueue_dma source(%dma_start3A_60 : memref<640x128xf32, #tpu.memory_space<vmem_shared>>) target(%dma_start3A_58 : memref<640x128xf32, #tpu.memory_space<hbm>>) target_semaphore(%run_scoped3A_52 : memref<!tpu.dma_semaphore, #tpu.memory_space<semaphore_mem>>)
      %dma_wait3A_61 = arith.constant 0 : i32
      %dma_wait3A_62 = arith.constant 0 : i32
      %dma_wait3A_63 = tpu.memref_slice %arg6[%arg0, %dma_wait3A_61, %dma_wait3A_62] : memref<2x10240x128xf32, #tpu.memory_space<hbm>> -> memref<1x10240x128xf32, #tpu.memory_space<hbm>>
      %dma_wait3A_64 = tpu.memref_squeeze %dma_wait3A_63 : memref<1x10240x128xf32, #tpu.memory_space<hbm>> -> memref<10240x128xf32, #tpu.memory_space<hbm>>
      %dma_wait3A_65 = arith.constant 0 : i32
      %dma_wait3A_66 = tpu.memref_slice %dma_wait3A_64[%mul3A_51, %dma_wait3A_65] : memref<10240x128xf32, #tpu.memory_space<hbm>> -> memref<640x128xf32, #tpu.memory_space<hbm>>
      %dma_wait3A_67 = arith.constant 0 : i32
      %dma_wait3A_68 = tpu.memref_slice %arg11[%mul3A_49, %dma_wait3A_67] : memref<10240x128xf32, #tpu.memory_space<vmem_shared>> -> memref<640x128xf32, #tpu.memory_space<vmem_shared>>
      tpu.wait_dma2 semaphore(%run_scoped3A_52 : memref<!tpu.dma_semaphore, #tpu.memory_space<semaphore_mem>>) src(%dma_wait3A_68 : memref<640x128xf32, #tpu.memory_space<vmem_shared>>) dst(%dma_wait3A_66 : memref<640x128xf32, #tpu.memory_space<hbm>>)
      tpu.yield
    }) : () -> ()
    return
  }
}

#map = affine_map<(d0, d1) -> (0, 0)>
#map1 = affine_map<(d0, d1) -> (0, 0, 0)>
module attributes {stable_mosaic.version = 14 : i64} {
  func.func @k(%arg0: i32, %arg1: i32, %arg2: memref<10240x128xf32, #tpu.memory_space<hbm>>, %arg3: memref<32x10000xi32, #tpu.memory_space<hbm>>, %arg4: memref<32x125x80xi32, #tpu.memory_space<hbm>>, %arg5: memref<640x128xf32, #tpu.memory_space<hbm>>, %arg6: memref<2x10240x128xf32, #tpu.memory_space<hbm>>, %arg7: memref<10000xi32, #tpu.memory_space<vmem>>, %arg8: memref<125x80xi32, #tpu.memory_space<vmem>>, %arg9: memref<80x128xf32, #tpu.memory_space<vmem>>, %arg10: memref<80x128xf32, #tpu.memory_space<vmem>>, %arg11: memref<10240x128xf32, #tpu.memory_space<vmem_shared>>, %arg12: memref<!tpu.dma_semaphore, #tpu.memory_space<semaphore_mem>>, %arg13: memref<!tpu.dma_semaphore, #tpu.memory_space<semaphore_mem>>, %arg14: memref<!tpu.dma_semaphore, #tpu.memory_space<semaphore_mem>>) attributes {dimension_semantics = [#tpu.dimension_semantics<core_parallel>, #tpu.dimension_semantics<subcore_parallel>], iteration_bounds = array<i64: 2, 16>, scalar_prefetch = 0 : i64, scratch_operands = 8 : i64, tpu.core_type = #tpu.core_type<sc_vector_subcore>, window_params = [{transform_indices = #map}, {transform_indices = #map}, {transform_indices = #map1}, {transform_indices = #map}, {transform_indices = #map1}]} {
    %mul3A = arith.constant 16 : i32
    %mul3A_0 = arith.muli %arg0, %mul3A : i32
    %add3A = arith.addi %mul3A_0, %arg1 : i32
    %mul3A_1 = arith.constant 640 : i32
    %mul3A_2 = arith.muli %arg1, %mul3A_1 : i32
    %dma_start3A = arith.constant 0 : i32
    %dma_start3A_3 = tpu.memref_slice %arg3[%add3A, %dma_start3A] : memref<32x10000xi32, #tpu.memory_space<hbm>> -> memref<1x10000xi32, #tpu.memory_space<hbm>>
    %dma_start3A_4 = tpu.memref_squeeze %dma_start3A_3 : memref<1x10000xi32, #tpu.memory_space<hbm>> -> memref<10000xi32, #tpu.memory_space<hbm>>
    %dma_start3A_5 = arith.constant 0 : i32
    %dma_start3A_6 = tpu.memref_slice %arg3[%add3A, %dma_start3A_5] : memref<32x10000xi32, #tpu.memory_space<hbm>> -> memref<1x10000xi32, #tpu.memory_space<hbm>>
    %dma_start3A_7 = tpu.memref_squeeze %dma_start3A_6 : memref<1x10000xi32, #tpu.memory_space<hbm>> -> memref<10000xi32, #tpu.memory_space<hbm>>
    tpu.enqueue_dma source(%dma_start3A_7 : memref<10000xi32, #tpu.memory_space<hbm>>) target(%arg7 : memref<10000xi32, #tpu.memory_space<vmem>>) target_semaphore(%arg12 : memref<!tpu.dma_semaphore, #tpu.memory_space<semaphore_mem>>)
    %dma_start3A_8 = arith.constant 0 : i32
    %dma_start3A_9 = arith.constant 0 : i32
    %dma_start3A_10 = tpu.memref_slice %arg4[%add3A, %dma_start3A_8, %dma_start3A_9] : memref<32x125x80xi32, #tpu.memory_space<hbm>> -> memref<1x125x80xi32, #tpu.memory_space<hbm>>
    %dma_start3A_11 = tpu.memref_squeeze %dma_start3A_10 : memref<1x125x80xi32, #tpu.memory_space<hbm>> -> memref<125x80xi32, #tpu.memory_space<hbm>>
    %dma_start3A_12 = arith.constant 0 : i32
    %dma_start3A_13 = arith.constant 0 : i32
    %dma_start3A_14 = tpu.memref_slice %arg4[%add3A, %dma_start3A_12, %dma_start3A_13] : memref<32x125x80xi32, #tpu.memory_space<hbm>> -> memref<1x125x80xi32, #tpu.memory_space<hbm>>
    %dma_start3A_15 = tpu.memref_squeeze %dma_start3A_14 : memref<1x125x80xi32, #tpu.memory_space<hbm>> -> memref<125x80xi32, #tpu.memory_space<hbm>>
    tpu.enqueue_dma source(%dma_start3A_15 : memref<125x80xi32, #tpu.memory_space<hbm>>) target(%arg8 : memref<125x80xi32, #tpu.memory_space<vmem>>) target_semaphore(%arg12 : memref<!tpu.dma_semaphore, #tpu.memory_space<semaphore_mem>>)
    %dma_start3A_16 = arith.constant 0 : i32
    %dma_start3A_17 = tpu.memref_slice %arg11[%mul3A_2, %dma_start3A_16] : memref<10240x128xf32, #tpu.memory_space<vmem_shared>> -> memref<640x128xf32, #tpu.memory_space<vmem_shared>>
    tpu.enqueue_dma source(%arg5 : memref<640x128xf32, #tpu.memory_space<hbm>>) target(%dma_start3A_17 : memref<640x128xf32, #tpu.memory_space<vmem_shared>>) target_semaphore(%arg12 : memref<!tpu.dma_semaphore, #tpu.memory_space<semaphore_mem>>)
    %dma_wait3A = arith.constant 0 : i32
    %dma_wait3A_18 = tpu.memref_slice %arg3[%add3A, %dma_wait3A] : memref<32x10000xi32, #tpu.memory_space<hbm>> -> memref<1x10000xi32, #tpu.memory_space<hbm>>
    %dma_wait3A_19 = tpu.memref_squeeze %dma_wait3A_18 : memref<1x10000xi32, #tpu.memory_space<hbm>> -> memref<10000xi32, #tpu.memory_space<hbm>>
    %dma_wait3A_20 = arith.constant 0 : i32
    %dma_wait3A_21 = tpu.memref_slice %arg3[%add3A, %dma_wait3A_20] : memref<32x10000xi32, #tpu.memory_space<hbm>> -> memref<1x10000xi32, #tpu.memory_space<hbm>>
    %dma_wait3A_22 = tpu.memref_squeeze %dma_wait3A_21 : memref<1x10000xi32, #tpu.memory_space<hbm>> -> memref<10000xi32, #tpu.memory_space<hbm>>
    tpu.wait_dma2 semaphore(%arg12 : memref<!tpu.dma_semaphore, #tpu.memory_space<semaphore_mem>>) src(%dma_wait3A_22 : memref<10000xi32, #tpu.memory_space<hbm>>) dst(%arg7 : memref<10000xi32, #tpu.memory_space<vmem>>)
    %dma_wait3A_23 = arith.constant 0 : i32
    %dma_wait3A_24 = arith.constant 0 : i32
    %dma_wait3A_25 = tpu.memref_slice %arg4[%add3A, %dma_wait3A_23, %dma_wait3A_24] : memref<32x125x80xi32, #tpu.memory_space<hbm>> -> memref<1x125x80xi32, #tpu.memory_space<hbm>>
    %dma_wait3A_26 = tpu.memref_squeeze %dma_wait3A_25 : memref<1x125x80xi32, #tpu.memory_space<hbm>> -> memref<125x80xi32, #tpu.memory_space<hbm>>
    %dma_wait3A_27 = arith.constant 0 : i32
    %dma_wait3A_28 = arith.constant 0 : i32
    %dma_wait3A_29 = tpu.memref_slice %arg4[%add3A, %dma_wait3A_27, %dma_wait3A_28] : memref<32x125x80xi32, #tpu.memory_space<hbm>> -> memref<1x125x80xi32, #tpu.memory_space<hbm>>
    %dma_wait3A_30 = tpu.memref_squeeze %dma_wait3A_29 : memref<1x125x80xi32, #tpu.memory_space<hbm>> -> memref<125x80xi32, #tpu.memory_space<hbm>>
    tpu.wait_dma2 semaphore(%arg12 : memref<!tpu.dma_semaphore, #tpu.memory_space<semaphore_mem>>) src(%dma_wait3A_30 : memref<125x80xi32, #tpu.memory_space<hbm>>) dst(%arg8 : memref<125x80xi32, #tpu.memory_space<vmem>>)
    %dma_wait3A_31 = arith.constant 0 : i32
    %dma_wait3A_32 = tpu.memref_slice %arg11[%mul3A_2, %dma_wait3A_31] : memref<10240x128xf32, #tpu.memory_space<vmem_shared>> -> memref<640x128xf32, #tpu.memory_space<vmem_shared>>
    tpu.wait_dma2 semaphore(%arg12 : memref<!tpu.dma_semaphore, #tpu.memory_space<semaphore_mem>>) src(%arg5 : memref<640x128xf32, #tpu.memory_space<hbm>>) dst(%dma_wait3A_32 : memref<640x128xf32, #tpu.memory_space<vmem_shared>>)
    %barrier3A = arith.constant 0 : index
    tpu.barrier barrier_id(%barrier3A)
    %dma_start3A_33 = arith.constant 0 : i32
    %dma_start3A_34 = tpu.memref_slice %arg7[%dma_start3A_33] : memref<10000xi32, #tpu.memory_space<vmem>> -> memref<80xi32, #tpu.memory_space<vmem>>
    %dma_start3A_35 = arith.constant 0 : i32
    %dma_start3A_36 = arith.constant 0 : i32
    %dma_start3A_37 = tpu.memref_slice %arg2[%dma_start3A_35, %dma_start3A_36] : memref<10240x128xf32, #tpu.memory_space<hbm>> -> memref<10240x128xf32, #tpu.memory_space<hbm>>
    tpu.enqueue_indirect_dma source(%dma_start3A_37 : memref<10240x128xf32, #tpu.memory_space<hbm>>) target(%arg9 : memref<80x128xf32, #tpu.memory_space<vmem>>) offsets(%dma_start3A_34 : memref<80xi32, #tpu.memory_space<vmem>>) semaphore(%arg13 : memref<!tpu.dma_semaphore, #tpu.memory_space<semaphore_mem>>)
    %scan3A = arith.constant 0 : i32
    %scan3A_38 = arith.constant 62 : i32
    %scan3A_39 = arith.addi %scan3A, %scan3A_38 : i32
    %scan3A_40 = arith.constant 1 : i32
    scf.for %scan3A_52 = %scan3A to %scan3A_39 step %scan3A_40  : i32 {
      %mul3A_53 = arith.constant 2 : i32
      %mul3A_54 = arith.muli %scan3A_52, %mul3A_53 : i32
      %add3A_55 = arith.constant 0 : i32
      %add3A_56 = arith.addi %add3A_55, %mul3A_54 : i32
      %add3A_57 = arith.constant 1 : i32
      %add3A_58 = arith.addi %add3A_56, %add3A_57 : i32
      %mul3A_59 = arith.constant 80 : i32
      %mul3A_60 = arith.muli %add3A_58, %mul3A_59 : i32
      %dma_start3A_61 = tpu.memref_slice %arg7[%mul3A_60] : memref<10000xi32, #tpu.memory_space<vmem>> -> memref<80xi32, #tpu.memory_space<vmem>>
      %dma_start3A_62 = arith.constant 0 : i32
      %dma_start3A_63 = arith.constant 0 : i32
      %dma_start3A_64 = tpu.memref_slice %arg2[%dma_start3A_62, %dma_start3A_63] : memref<10240x128xf32, #tpu.memory_space<hbm>> -> memref<10240x128xf32, #tpu.memory_space<hbm>>
      tpu.enqueue_indirect_dma source(%dma_start3A_64 : memref<10240x128xf32, #tpu.memory_space<hbm>>) target(%arg10 : memref<80x128xf32, #tpu.memory_space<vmem>>) offsets(%dma_start3A_61 : memref<80xi32, #tpu.memory_space<vmem>>) semaphore(%arg14 : memref<!tpu.dma_semaphore, #tpu.memory_space<semaphore_mem>>)
      %mul3A_65 = arith.constant 80 : i32
      %mul3A_66 = arith.muli %add3A_56, %mul3A_65 : i32
      %dma_wait3A_67 = tpu.memref_slice %arg7[%mul3A_66] : memref<10000xi32, #tpu.memory_space<vmem>> -> memref<80xi32, #tpu.memory_space<vmem>>
      %dma_wait3A_68 = arith.constant 0 : i32
      %dma_wait3A_69 = arith.constant 0 : i32
      %dma_wait3A_70 = tpu.memref_slice %arg2[%dma_wait3A_68, %dma_wait3A_69] : memref<10240x128xf32, #tpu.memory_space<hbm>> -> memref<10240x128xf32, #tpu.memory_space<hbm>>
      tpu.wait_indirect_dma semaphore(%arg13 : memref<!tpu.dma_semaphore, #tpu.memory_space<semaphore_mem>>) src(%dma_wait3A_70 : memref<10240x128xf32, #tpu.memory_space<hbm>>) dst(%arg9 : memref<80x128xf32, #tpu.memory_space<vmem>>)
      "tpu.region"() ({
        %run_scoped3A_85 = tpu.sem_alloc : memref<!tpu.dma_semaphore, #tpu.memory_space<semaphore_mem>>
        %dma_start3A_86 = arith.constant 0 : i32
        %dma_start3A_87 = tpu.memref_slice %arg8[%add3A_56, %dma_start3A_86] : memref<125x80xi32, #tpu.memory_space<vmem>> -> memref<1x80xi32, #tpu.memory_space<vmem>>
        %dma_start3A_88 = tpu.memref_squeeze %dma_start3A_87 : memref<1x80xi32, #tpu.memory_space<vmem>> -> memref<80xi32, #tpu.memory_space<vmem>>
        %dma_start3A_89 = arith.constant 0 : i32
        %dma_start3A_90 = arith.constant 0 : i32
        %dma_start3A_91 = tpu.memref_slice %arg11[%dma_start3A_89, %dma_start3A_90] : memref<10240x128xf32, #tpu.memory_space<vmem_shared>> -> memref<10240x128xf32, #tpu.memory_space<vmem_shared>>
        tpu.enqueue_indirect_dma source(%arg9 : memref<80x128xf32, #tpu.memory_space<vmem>>) target(%dma_start3A_91 : memref<10240x128xf32, #tpu.memory_space<vmem_shared>>) offsets(%dma_start3A_88 : memref<80xi32, #tpu.memory_space<vmem>>) semaphore(%run_scoped3A_85 : memref<!tpu.dma_semaphore, #tpu.memory_space<semaphore_mem>>) {add = true}
        %dma_wait3A_92 = arith.constant 0 : i32
        %dma_wait3A_93 = tpu.memref_slice %arg8[%add3A_56, %dma_wait3A_92] : memref<125x80xi32, #tpu.memory_space<vmem>> -> memref<1x80xi32, #tpu.memory_space<vmem>>
        %dma_wait3A_94 = tpu.memref_squeeze %dma_wait3A_93 : memref<1x80xi32, #tpu.memory_space<vmem>> -> memref<80xi32, #tpu.memory_space<vmem>>
        %dma_wait3A_95 = arith.constant 0 : i32
        %dma_wait3A_96 = arith.constant 0 : i32
        %dma_wait3A_97 = tpu.memref_slice %arg11[%dma_wait3A_95, %dma_wait3A_96] : memref<10240x128xf32, #tpu.memory_space<vmem_shared>> -> memref<10240x128xf32, #tpu.memory_space<vmem_shared>>
        tpu.wait_indirect_dma semaphore(%run_scoped3A_85 : memref<!tpu.dma_semaphore, #tpu.memory_space<semaphore_mem>>) src(%arg9 : memref<80x128xf32, #tpu.memory_space<vmem>>) dst(%dma_wait3A_97 : memref<10240x128xf32, #tpu.memory_space<vmem_shared>>)
        tpu.yield
      }) : () -> ()
      %add3A_71 = arith.constant 2 : i32
      %add3A_72 = arith.addi %add3A_56, %add3A_71 : i32
      %lt3A = arith.constant 125 : i32
      %lt3A_73 = arith.cmpi slt, %add3A_72, %lt3A : i32
      %convert_element_type3A = arith.extui %lt3A_73 : i1 to i32
      %cond3A = arith.constant 0 : i32
      %cond3A_74 = arith.cmpi ne, %convert_element_type3A, %cond3A : i32
      scf.if %cond3A_74 {
        %add3A_85 = arith.constant 2 : i32
        %add3A_86 = arith.addi %add3A_56, %add3A_85 : i32
        %mul3A_87 = arith.constant 80 : i32
        %mul3A_88 = arith.muli %add3A_86, %mul3A_87 : i32
        %dma_start3A_89 = tpu.memref_slice %arg7[%mul3A_88] : memref<10000xi32, #tpu.memory_space<vmem>> -> memref<80xi32, #tpu.memory_space<vmem>>
        %dma_start3A_90 = arith.constant 0 : i32
        %dma_start3A_91 = arith.constant 0 : i32
        %dma_start3A_92 = tpu.memref_slice %arg2[%dma_start3A_90, %dma_start3A_91] : memref<10240x128xf32, #tpu.memory_space<hbm>> -> memref<10240x128xf32, #tpu.memory_space<hbm>>
        tpu.enqueue_indirect_dma source(%dma_start3A_92 : memref<10240x128xf32, #tpu.memory_space<hbm>>) target(%arg9 : memref<80x128xf32, #tpu.memory_space<vmem>>) offsets(%dma_start3A_89 : memref<80xi32, #tpu.memory_space<vmem>>) semaphore(%arg13 : memref<!tpu.dma_semaphore, #tpu.memory_space<semaphore_mem>>)
      } else {
      }
      %add3A_75 = arith.constant 1 : i32
      %add3A_76 = arith.addi %add3A_56, %add3A_75 : i32
      %mul3A_77 = arith.constant 80 : i32
      %mul3A_78 = arith.muli %add3A_76, %mul3A_77 : i32
      %dma_wait3A_79 = tpu.memref_slice %arg7[%mul3A_78] : memref<10000xi32, #tpu.memory_space<vmem>> -> memref<80xi32, #tpu.memory_space<vmem>>
      %dma_wait3A_80 = arith.constant 0 : i32
      %dma_wait3A_81 = arith.constant 0 : i32
      %dma_wait3A_82 = tpu.memref_slice %arg2[%dma_wait3A_80, %dma_wait3A_81] : memref<10240x128xf32, #tpu.memory_space<hbm>> -> memref<10240x128xf32, #tpu.memory_space<hbm>>
      tpu.wait_indirect_dma semaphore(%arg14 : memref<!tpu.dma_semaphore, #tpu.memory_space<semaphore_mem>>) src(%dma_wait3A_82 : memref<10240x128xf32, #tpu.memory_space<hbm>>) dst(%arg10 : memref<80x128xf32, #tpu.memory_space<vmem>>)
      %add3A_83 = arith.constant 1 : i32
      %add3A_84 = arith.addi %add3A_56, %add3A_83 : i32
      "tpu.region"() ({
        %run_scoped3A_85 = tpu.sem_alloc : memref<!tpu.dma_semaphore, #tpu.memory_space<semaphore_mem>>
        %dma_start3A_86 = arith.constant 0 : i32
        %dma_start3A_87 = tpu.memref_slice %arg8[%add3A_84, %dma_start3A_86] : memref<125x80xi32, #tpu.memory_space<vmem>> -> memref<1x80xi32, #tpu.memory_space<vmem>>
        %dma_start3A_88 = tpu.memref_squeeze %dma_start3A_87 : memref<1x80xi32, #tpu.memory_space<vmem>> -> memref<80xi32, #tpu.memory_space<vmem>>
        %dma_start3A_89 = arith.constant 0 : i32
        %dma_start3A_90 = arith.constant 0 : i32
        %dma_start3A_91 = tpu.memref_slice %arg11[%dma_start3A_89, %dma_start3A_90] : memref<10240x128xf32, #tpu.memory_space<vmem_shared>> -> memref<10240x128xf32, #tpu.memory_space<vmem_shared>>
        tpu.enqueue_indirect_dma source(%arg10 : memref<80x128xf32, #tpu.memory_space<vmem>>) target(%dma_start3A_91 : memref<10240x128xf32, #tpu.memory_space<vmem_shared>>) offsets(%dma_start3A_88 : memref<80xi32, #tpu.memory_space<vmem>>) semaphore(%run_scoped3A_85 : memref<!tpu.dma_semaphore, #tpu.memory_space<semaphore_mem>>) {add = true}
        %dma_wait3A_92 = arith.constant 0 : i32
        %dma_wait3A_93 = tpu.memref_slice %arg8[%add3A_84, %dma_wait3A_92] : memref<125x80xi32, #tpu.memory_space<vmem>> -> memref<1x80xi32, #tpu.memory_space<vmem>>
        %dma_wait3A_94 = tpu.memref_squeeze %dma_wait3A_93 : memref<1x80xi32, #tpu.memory_space<vmem>> -> memref<80xi32, #tpu.memory_space<vmem>>
        %dma_wait3A_95 = arith.constant 0 : i32
        %dma_wait3A_96 = arith.constant 0 : i32
        %dma_wait3A_97 = tpu.memref_slice %arg11[%dma_wait3A_95, %dma_wait3A_96] : memref<10240x128xf32, #tpu.memory_space<vmem_shared>> -> memref<10240x128xf32, #tpu.memory_space<vmem_shared>>
        tpu.wait_indirect_dma semaphore(%run_scoped3A_85 : memref<!tpu.dma_semaphore, #tpu.memory_space<semaphore_mem>>) src(%arg10 : memref<80x128xf32, #tpu.memory_space<vmem>>) dst(%dma_wait3A_97 : memref<10240x128xf32, #tpu.memory_space<vmem_shared>>)
        tpu.yield
      }) : () -> ()
    }
    %scan3A_41 = arith.constant 62 : i32
    %dma_wait3A_42 = arith.constant 9920 : i32
    %dma_wait3A_43 = tpu.memref_slice %arg7[%dma_wait3A_42] : memref<10000xi32, #tpu.memory_space<vmem>> -> memref<80xi32, #tpu.memory_space<vmem>>
    %dma_wait3A_44 = arith.constant 0 : i32
    %dma_wait3A_45 = arith.constant 0 : i32
    %dma_wait3A_46 = tpu.memref_slice %arg2[%dma_wait3A_44, %dma_wait3A_45] : memref<10240x128xf32, #tpu.memory_space<hbm>> -> memref<10240x128xf32, #tpu.memory_space<hbm>>
    tpu.wait_indirect_dma semaphore(%arg13 : memref<!tpu.dma_semaphore, #tpu.memory_space<semaphore_mem>>) src(%dma_wait3A_46 : memref<10240x128xf32, #tpu.memory_space<hbm>>) dst(%arg9 : memref<80x128xf32, #tpu.memory_space<vmem>>)
    %run_scoped3A = arith.constant 124 : i32
    "tpu.region"() ({
      %run_scoped3A_52 = tpu.sem_alloc : memref<!tpu.dma_semaphore, #tpu.memory_space<semaphore_mem>>
      %dma_start3A_53 = arith.constant 0 : i32
      %dma_start3A_54 = tpu.memref_slice %arg8[%run_scoped3A, %dma_start3A_53] : memref<125x80xi32, #tpu.memory_space<vmem>> -> memref<1x80xi32, #tpu.memory_space<vmem>>
      %dma_start3A_55 = tpu.memref_squeeze %dma_start3A_54 : memref<1x80xi32, #tpu.memory_space<vmem>> -> memref<80xi32, #tpu.memory_space<vmem>>
      %dma_start3A_56 = arith.constant 0 : i32
      %dma_start3A_57 = arith.constant 0 : i32
      %dma_start3A_58 = tpu.memref_slice %arg11[%dma_start3A_56, %dma_start3A_57] : memref<10240x128xf32, #tpu.memory_space<vmem_shared>> -> memref<10240x128xf32, #tpu.memory_space<vmem_shared>>
      tpu.enqueue_indirect_dma source(%arg9 : memref<80x128xf32, #tpu.memory_space<vmem>>) target(%dma_start3A_58 : memref<10240x128xf32, #tpu.memory_space<vmem_shared>>) offsets(%dma_start3A_55 : memref<80xi32, #tpu.memory_space<vmem>>) semaphore(%run_scoped3A_52 : memref<!tpu.dma_semaphore, #tpu.memory_space<semaphore_mem>>) {add = true}
      %dma_wait3A_59 = arith.constant 0 : i32
      %dma_wait3A_60 = tpu.memref_slice %arg8[%run_scoped3A, %dma_wait3A_59] : memref<125x80xi32, #tpu.memory_space<vmem>> -> memref<1x80xi32, #tpu.memory_space<vmem>>
      %dma_wait3A_61 = tpu.memref_squeeze %dma_wait3A_60 : memref<1x80xi32, #tpu.memory_space<vmem>> -> memref<80xi32, #tpu.memory_space<vmem>>
      %dma_wait3A_62 = arith.constant 0 : i32
      %dma_wait3A_63 = arith.constant 0 : i32
      %dma_wait3A_64 = tpu.memref_slice %arg11[%dma_wait3A_62, %dma_wait3A_63] : memref<10240x128xf32, #tpu.memory_space<vmem_shared>> -> memref<10240x128xf32, #tpu.memory_space<vmem_shared>>
      tpu.wait_indirect_dma semaphore(%run_scoped3A_52 : memref<!tpu.dma_semaphore, #tpu.memory_space<semaphore_mem>>) src(%arg9 : memref<80x128xf32, #tpu.memory_space<vmem>>) dst(%dma_wait3A_64 : memref<10240x128xf32, #tpu.memory_space<vmem_shared>>)
      tpu.yield
    }) : () -> ()
    %barrier3A_47 = arith.constant 0 : index
    tpu.barrier barrier_id(%barrier3A_47)
    %mul3A_48 = arith.constant 640 : i32
    %mul3A_49 = arith.muli %arg1, %mul3A_48 : i32
    %mul3A_50 = arith.constant 640 : i32
    %mul3A_51 = arith.muli %arg1, %mul3A_50 : i32
    "tpu.region"() ({
      %run_scoped3A_52 = tpu.sem_alloc : memref<!tpu.dma_semaphore, #tpu.memory_space<semaphore_mem>>
      %dma_start3A_53 = arith.constant 0 : i32
      %dma_start3A_54 = arith.constant 0 : i32
      %dma_start3A_55 = tpu.memref_slice %arg6[%arg0, %dma_start3A_53, %dma_start3A_54] : memref<2x10240x128xf32, #tpu.memory_space<hbm>> -> memref<1x10240x128xf32, #tpu.memory_space<hbm>>
      %dma_start3A_56 = tpu.memref_squeeze %dma_start3A_55 : memref<1x10240x128xf32, #tpu.memory_space<hbm>> -> memref<10240x128xf32, #tpu.memory_space<hbm>>
      %dma_start3A_57 = arith.constant 0 : i32
      %dma_start3A_58 = tpu.memref_slice %dma_start3A_56[%mul3A_51, %dma_start3A_57] : memref<10240x128xf32, #tpu.memory_space<hbm>> -> memref<640x128xf32, #tpu.memory_space<hbm>>
      %dma_start3A_59 = arith.constant 0 : i32
      %dma_start3A_60 = tpu.memref_slice %arg11[%mul3A_49, %dma_start3A_59] : memref<10240x128xf32, #tpu.memory_space<vmem_shared>> -> memref<640x128xf32, #tpu.memory_space<vmem_shared>>
      tpu.enqueue_dma source(%dma_start3A_60 : memref<640x128xf32, #tpu.memory_space<vmem_shared>>) target(%dma_start3A_58 : memref<640x128xf32, #tpu.memory_space<hbm>>) target_semaphore(%run_scoped3A_52 : memref<!tpu.dma_semaphore, #tpu.memory_space<semaphore_mem>>)
      %dma_wait3A_61 = arith.constant 0 : i32
      %dma_wait3A_62 = arith.constant 0 : i32
      %dma_wait3A_63 = tpu.memref_slice %arg6[%arg0, %dma_wait3A_61, %dma_wait3A_62] : memref<2x10240x128xf32, #tpu.memory_space<hbm>> -> memref<1x10240x128xf32, #tpu.memory_space<hbm>>
      %dma_wait3A_64 = tpu.memref_squeeze %dma_wait3A_63 : memref<1x10240x128xf32, #tpu.memory_space<hbm>> -> memref<10240x128xf32, #tpu.memory_space<hbm>>
      %dma_wait3A_65 = arith.constant 0 : i32
      %dma_wait3A_66 = tpu.memref_slice %dma_wait3A_64[%mul3A_51, %dma_wait3A_65] : memref<10240x128xf32, #tpu.memory_space<hbm>> -> memref<640x128xf32, #tpu.memory_space<hbm>>
      %dma_wait3A_67 = arith.constant 0 : i32
      %dma_wait3A_68 = tpu.memref_slice %arg11[%mul3A_49, %dma_wait3A_67] : memref<10240x128xf32, #tpu.memory_space<vmem_shared>> -> memref<640x128xf32, #tpu.memory_space<vmem_shared>>
      tpu.wait_dma2 semaphore(%run_scoped3A_52 : memref<!tpu.dma_semaphore, #tpu.memory_space<semaphore_mem>>) src(%dma_wait3A_68 : memref<640x128xf32, #tpu.memory_space<vmem_shared>>) dst(%dma_wait3A_66 : memref<640x128xf32, #tpu.memory_space<hbm>>)
      tpu.yield
    }) : () -> ()
    return
  }
}

#map = affine_map<(d0, d1) -> (0, 0)>
#map1 = affine_map<(d0, d1) -> (0, 0, 0)>
module attributes {stable_mosaic.version = 14 : i64} {
  func.func @k(%arg0: i32, %arg1: i32, %arg2: memref<10240x128xf32, #tpu.memory_space<hbm>>, %arg3: memref<32x10000xi32, #tpu.memory_space<hbm>>, %arg4: memref<32x125x80xi32, #tpu.memory_space<hbm>>, %arg5: memref<640x128xf32, #tpu.memory_space<hbm>>, %arg6: memref<2x10240x128xf32, #tpu.memory_space<hbm>>, %arg7: memref<10000xi32, #tpu.memory_space<vmem>>, %arg8: memref<125x80xi32, #tpu.memory_space<vmem>>, %arg9: memref<80x128xf32, #tpu.memory_space<vmem>>, %arg10: memref<80x128xf32, #tpu.memory_space<vmem>>, %arg11: memref<10240x128xf32, #tpu.memory_space<vmem_shared>>, %arg12: memref<!tpu.dma_semaphore, #tpu.memory_space<semaphore_mem>>, %arg13: memref<!tpu.dma_semaphore, #tpu.memory_space<semaphore_mem>>, %arg14: memref<!tpu.dma_semaphore, #tpu.memory_space<semaphore_mem>>) attributes {dimension_semantics = [#tpu.dimension_semantics<core_parallel>, #tpu.dimension_semantics<subcore_parallel>], iteration_bounds = array<i64: 2, 16>, scalar_prefetch = 0 : i64, scratch_operands = 8 : i64, tpu.core_type = #tpu.core_type<sc_vector_subcore>, window_params = [{transform_indices = #map}, {transform_indices = #map}, {transform_indices = #map1}, {transform_indices = #map}, {transform_indices = #map1}]} {
    %mul3A = arith.constant 16 : i32
    %mul3A_0 = arith.muli %arg0, %mul3A : i32
    %add3A = arith.addi %mul3A_0, %arg1 : i32
    %mul3A_1 = arith.constant 640 : i32
    %mul3A_2 = arith.muli %arg1, %mul3A_1 : i32
    %dma_start3A = arith.constant 0 : i32
    %dma_start3A_3 = tpu.memref_slice %arg3[%add3A, %dma_start3A] : memref<32x10000xi32, #tpu.memory_space<hbm>> -> memref<1x10000xi32, #tpu.memory_space<hbm>>
    %dma_start3A_4 = tpu.memref_squeeze %dma_start3A_3 : memref<1x10000xi32, #tpu.memory_space<hbm>> -> memref<10000xi32, #tpu.memory_space<hbm>>
    %dma_start3A_5 = arith.constant 0 : i32
    %dma_start3A_6 = tpu.memref_slice %arg3[%add3A, %dma_start3A_5] : memref<32x10000xi32, #tpu.memory_space<hbm>> -> memref<1x10000xi32, #tpu.memory_space<hbm>>
    %dma_start3A_7 = tpu.memref_squeeze %dma_start3A_6 : memref<1x10000xi32, #tpu.memory_space<hbm>> -> memref<10000xi32, #tpu.memory_space<hbm>>
    tpu.enqueue_dma source(%dma_start3A_7 : memref<10000xi32, #tpu.memory_space<hbm>>) target(%arg7 : memref<10000xi32, #tpu.memory_space<vmem>>) target_semaphore(%arg12 : memref<!tpu.dma_semaphore, #tpu.memory_space<semaphore_mem>>)
    %dma_start3A_8 = arith.constant 0 : i32
    %dma_start3A_9 = arith.constant 0 : i32
    %dma_start3A_10 = tpu.memref_slice %arg4[%add3A, %dma_start3A_8, %dma_start3A_9] : memref<32x125x80xi32, #tpu.memory_space<hbm>> -> memref<1x125x80xi32, #tpu.memory_space<hbm>>
    %dma_start3A_11 = tpu.memref_squeeze %dma_start3A_10 : memref<1x125x80xi32, #tpu.memory_space<hbm>> -> memref<125x80xi32, #tpu.memory_space<hbm>>
    %dma_start3A_12 = arith.constant 0 : i32
    %dma_start3A_13 = arith.constant 0 : i32
    %dma_start3A_14 = tpu.memref_slice %arg4[%add3A, %dma_start3A_12, %dma_start3A_13] : memref<32x125x80xi32, #tpu.memory_space<hbm>> -> memref<1x125x80xi32, #tpu.memory_space<hbm>>
    %dma_start3A_15 = tpu.memref_squeeze %dma_start3A_14 : memref<1x125x80xi32, #tpu.memory_space<hbm>> -> memref<125x80xi32, #tpu.memory_space<hbm>>
    tpu.enqueue_dma source(%dma_start3A_15 : memref<125x80xi32, #tpu.memory_space<hbm>>) target(%arg8 : memref<125x80xi32, #tpu.memory_space<vmem>>) target_semaphore(%arg12 : memref<!tpu.dma_semaphore, #tpu.memory_space<semaphore_mem>>)
    %dma_start3A_16 = arith.constant 0 : i32
    %dma_start3A_17 = tpu.memref_slice %arg11[%mul3A_2, %dma_start3A_16] : memref<10240x128xf32, #tpu.memory_space<vmem_shared>> -> memref<640x128xf32, #tpu.memory_space<vmem_shared>>
    tpu.enqueue_dma source(%arg5 : memref<640x128xf32, #tpu.memory_space<hbm>>) target(%dma_start3A_17 : memref<640x128xf32, #tpu.memory_space<vmem_shared>>) target_semaphore(%arg12 : memref<!tpu.dma_semaphore, #tpu.memory_space<semaphore_mem>>)
    %dma_wait3A = arith.constant 0 : i32
    %dma_wait3A_18 = tpu.memref_slice %arg3[%add3A, %dma_wait3A] : memref<32x10000xi32, #tpu.memory_space<hbm>> -> memref<1x10000xi32, #tpu.memory_space<hbm>>
    %dma_wait3A_19 = tpu.memref_squeeze %dma_wait3A_18 : memref<1x10000xi32, #tpu.memory_space<hbm>> -> memref<10000xi32, #tpu.memory_space<hbm>>
    %dma_wait3A_20 = arith.constant 0 : i32
    %dma_wait3A_21 = tpu.memref_slice %arg3[%add3A, %dma_wait3A_20] : memref<32x10000xi32, #tpu.memory_space<hbm>> -> memref<1x10000xi32, #tpu.memory_space<hbm>>
    %dma_wait3A_22 = tpu.memref_squeeze %dma_wait3A_21 : memref<1x10000xi32, #tpu.memory_space<hbm>> -> memref<10000xi32, #tpu.memory_space<hbm>>
    tpu.wait_dma2 semaphore(%arg12 : memref<!tpu.dma_semaphore, #tpu.memory_space<semaphore_mem>>) src(%dma_wait3A_22 : memref<10000xi32, #tpu.memory_space<hbm>>) dst(%arg7 : memref<10000xi32, #tpu.memory_space<vmem>>)
    %dma_wait3A_23 = arith.constant 0 : i32
    %dma_wait3A_24 = arith.constant 0 : i32
    %dma_wait3A_25 = tpu.memref_slice %arg4[%add3A, %dma_wait3A_23, %dma_wait3A_24] : memref<32x125x80xi32, #tpu.memory_space<hbm>> -> memref<1x125x80xi32, #tpu.memory_space<hbm>>
    %dma_wait3A_26 = tpu.memref_squeeze %dma_wait3A_25 : memref<1x125x80xi32, #tpu.memory_space<hbm>> -> memref<125x80xi32, #tpu.memory_space<hbm>>
    %dma_wait3A_27 = arith.constant 0 : i32
    %dma_wait3A_28 = arith.constant 0 : i32
    %dma_wait3A_29 = tpu.memref_slice %arg4[%add3A, %dma_wait3A_27, %dma_wait3A_28] : memref<32x125x80xi32, #tpu.memory_space<hbm>> -> memref<1x125x80xi32, #tpu.memory_space<hbm>>
    %dma_wait3A_30 = tpu.memref_squeeze %dma_wait3A_29 : memref<1x125x80xi32, #tpu.memory_space<hbm>> -> memref<125x80xi32, #tpu.memory_space<hbm>>
    tpu.wait_dma2 semaphore(%arg12 : memref<!tpu.dma_semaphore, #tpu.memory_space<semaphore_mem>>) src(%dma_wait3A_30 : memref<125x80xi32, #tpu.memory_space<hbm>>) dst(%arg8 : memref<125x80xi32, #tpu.memory_space<vmem>>)
    %dma_wait3A_31 = arith.constant 0 : i32
    %dma_wait3A_32 = tpu.memref_slice %arg11[%mul3A_2, %dma_wait3A_31] : memref<10240x128xf32, #tpu.memory_space<vmem_shared>> -> memref<640x128xf32, #tpu.memory_space<vmem_shared>>
    tpu.wait_dma2 semaphore(%arg12 : memref<!tpu.dma_semaphore, #tpu.memory_space<semaphore_mem>>) src(%arg5 : memref<640x128xf32, #tpu.memory_space<hbm>>) dst(%dma_wait3A_32 : memref<640x128xf32, #tpu.memory_space<vmem_shared>>)
    %barrier3A = arith.constant 0 : index
    tpu.barrier barrier_id(%barrier3A)
    %dma_start3A_33 = arith.constant 0 : i32
    %dma_start3A_34 = tpu.memref_slice %arg7[%dma_start3A_33] : memref<10000xi32, #tpu.memory_space<vmem>> -> memref<80xi32, #tpu.memory_space<vmem>>
    %dma_start3A_35 = arith.constant 0 : i32
    %dma_start3A_36 = arith.constant 0 : i32
    %dma_start3A_37 = tpu.memref_slice %arg2[%dma_start3A_35, %dma_start3A_36] : memref<10240x128xf32, #tpu.memory_space<hbm>> -> memref<10240x128xf32, #tpu.memory_space<hbm>>
    tpu.enqueue_indirect_dma source(%dma_start3A_37 : memref<10240x128xf32, #tpu.memory_space<hbm>>) target(%arg9 : memref<80x128xf32, #tpu.memory_space<vmem>>) offsets(%dma_start3A_34 : memref<80xi32, #tpu.memory_space<vmem>>) semaphore(%arg13 : memref<!tpu.dma_semaphore, #tpu.memory_space<semaphore_mem>>)
    %scan3A = arith.constant 0 : i32
    %scan3A_38 = arith.constant 62 : i32
    %scan3A_39 = arith.addi %scan3A, %scan3A_38 : i32
    %scan3A_40 = arith.constant 1 : i32
    scf.for %scan3A_52 = %scan3A to %scan3A_39 step %scan3A_40  : i32 {
      %mul3A_53 = arith.constant 2 : i32
      %mul3A_54 = arith.muli %scan3A_52, %mul3A_53 : i32
      %add3A_55 = arith.constant 0 : i32
      %add3A_56 = arith.addi %add3A_55, %mul3A_54 : i32
      %add3A_57 = arith.constant 1 : i32
      %add3A_58 = arith.addi %add3A_56, %add3A_57 : i32
      %mul3A_59 = arith.constant 80 : i32
      %mul3A_60 = arith.muli %add3A_58, %mul3A_59 : i32
      %dma_start3A_61 = tpu.memref_slice %arg7[%mul3A_60] : memref<10000xi32, #tpu.memory_space<vmem>> -> memref<80xi32, #tpu.memory_space<vmem>>
      %dma_start3A_62 = arith.constant 0 : i32
      %dma_start3A_63 = arith.constant 0 : i32
      %dma_start3A_64 = tpu.memref_slice %arg2[%dma_start3A_62, %dma_start3A_63] : memref<10240x128xf32, #tpu.memory_space<hbm>> -> memref<10240x128xf32, #tpu.memory_space<hbm>>
      tpu.enqueue_indirect_dma source(%dma_start3A_64 : memref<10240x128xf32, #tpu.memory_space<hbm>>) target(%arg10 : memref<80x128xf32, #tpu.memory_space<vmem>>) offsets(%dma_start3A_61 : memref<80xi32, #tpu.memory_space<vmem>>) semaphore(%arg14 : memref<!tpu.dma_semaphore, #tpu.memory_space<semaphore_mem>>)
      %mul3A_65 = arith.constant 80 : i32
      %mul3A_66 = arith.muli %add3A_56, %mul3A_65 : i32
      %dma_wait3A_67 = tpu.memref_slice %arg7[%mul3A_66] : memref<10000xi32, #tpu.memory_space<vmem>> -> memref<80xi32, #tpu.memory_space<vmem>>
      %dma_wait3A_68 = arith.constant 0 : i32
      %dma_wait3A_69 = arith.constant 0 : i32
      %dma_wait3A_70 = tpu.memref_slice %arg2[%dma_wait3A_68, %dma_wait3A_69] : memref<10240x128xf32, #tpu.memory_space<hbm>> -> memref<10240x128xf32, #tpu.memory_space<hbm>>
      tpu.wait_indirect_dma semaphore(%arg13 : memref<!tpu.dma_semaphore, #tpu.memory_space<semaphore_mem>>) src(%dma_wait3A_70 : memref<10240x128xf32, #tpu.memory_space<hbm>>) dst(%arg9 : memref<80x128xf32, #tpu.memory_space<vmem>>)
      "tpu.region"() ({
        %run_scoped3A_85 = tpu.sem_alloc : memref<!tpu.dma_semaphore, #tpu.memory_space<semaphore_mem>>
        %dma_start3A_86 = arith.constant 0 : i32
        %dma_start3A_87 = tpu.memref_slice %arg8[%add3A_56, %dma_start3A_86] : memref<125x80xi32, #tpu.memory_space<vmem>> -> memref<1x80xi32, #tpu.memory_space<vmem>>
        %dma_start3A_88 = tpu.memref_squeeze %dma_start3A_87 : memref<1x80xi32, #tpu.memory_space<vmem>> -> memref<80xi32, #tpu.memory_space<vmem>>
        %dma_start3A_89 = arith.constant 0 : i32
        %dma_start3A_90 = arith.constant 0 : i32
        %dma_start3A_91 = tpu.memref_slice %arg11[%dma_start3A_89, %dma_start3A_90] : memref<10240x128xf32, #tpu.memory_space<vmem_shared>> -> memref<10240x128xf32, #tpu.memory_space<vmem_shared>>
        tpu.enqueue_indirect_dma source(%arg9 : memref<80x128xf32, #tpu.memory_space<vmem>>) target(%dma_start3A_91 : memref<10240x128xf32, #tpu.memory_space<vmem_shared>>) offsets(%dma_start3A_88 : memref<80xi32, #tpu.memory_space<vmem>>) semaphore(%run_scoped3A_85 : memref<!tpu.dma_semaphore, #tpu.memory_space<semaphore_mem>>) {add = true}
        %dma_wait3A_92 = arith.constant 0 : i32
        %dma_wait3A_93 = tpu.memref_slice %arg8[%add3A_56, %dma_wait3A_92] : memref<125x80xi32, #tpu.memory_space<vmem>> -> memref<1x80xi32, #tpu.memory_space<vmem>>
        %dma_wait3A_94 = tpu.memref_squeeze %dma_wait3A_93 : memref<1x80xi32, #tpu.memory_space<vmem>> -> memref<80xi32, #tpu.memory_space<vmem>>
        %dma_wait3A_95 = arith.constant 0 : i32
        %dma_wait3A_96 = arith.constant 0 : i32
        %dma_wait3A_97 = tpu.memref_slice %arg11[%dma_wait3A_95, %dma_wait3A_96] : memref<10240x128xf32, #tpu.memory_space<vmem_shared>> -> memref<10240x128xf32, #tpu.memory_space<vmem_shared>>
        tpu.wait_indirect_dma semaphore(%run_scoped3A_85 : memref<!tpu.dma_semaphore, #tpu.memory_space<semaphore_mem>>) src(%arg9 : memref<80x128xf32, #tpu.memory_space<vmem>>) dst(%dma_wait3A_97 : memref<10240x128xf32, #tpu.memory_space<vmem_shared>>)
        tpu.yield
      }) : () -> ()
      %add3A_71 = arith.constant 2 : i32
      %add3A_72 = arith.addi %add3A_56, %add3A_71 : i32
      %lt3A = arith.constant 125 : i32
      %lt3A_73 = arith.cmpi slt, %add3A_72, %lt3A : i32
      %convert_element_type3A = arith.extui %lt3A_73 : i1 to i32
      %cond3A = arith.constant 0 : i32
      %cond3A_74 = arith.cmpi ne, %convert_element_type3A, %cond3A : i32
      scf.if %cond3A_74 {
        %add3A_85 = arith.constant 2 : i32
        %add3A_86 = arith.addi %add3A_56, %add3A_85 : i32
        %mul3A_87 = arith.constant 80 : i32
        %mul3A_88 = arith.muli %add3A_86, %mul3A_87 : i32
        %dma_start3A_89 = tpu.memref_slice %arg7[%mul3A_88] : memref<10000xi32, #tpu.memory_space<vmem>> -> memref<80xi32, #tpu.memory_space<vmem>>
        %dma_start3A_90 = arith.constant 0 : i32
        %dma_start3A_91 = arith.constant 0 : i32
        %dma_start3A_92 = tpu.memref_slice %arg2[%dma_start3A_90, %dma_start3A_91] : memref<10240x128xf32, #tpu.memory_space<hbm>> -> memref<10240x128xf32, #tpu.memory_space<hbm>>
        tpu.enqueue_indirect_dma source(%dma_start3A_92 : memref<10240x128xf32, #tpu.memory_space<hbm>>) target(%arg9 : memref<80x128xf32, #tpu.memory_space<vmem>>) offsets(%dma_start3A_89 : memref<80xi32, #tpu.memory_space<vmem>>) semaphore(%arg13 : memref<!tpu.dma_semaphore, #tpu.memory_space<semaphore_mem>>)
      } else {
      }
      %add3A_75 = arith.constant 1 : i32
      %add3A_76 = arith.addi %add3A_56, %add3A_75 : i32
      %mul3A_77 = arith.constant 80 : i32
      %mul3A_78 = arith.muli %add3A_76, %mul3A_77 : i32
      %dma_wait3A_79 = tpu.memref_slice %arg7[%mul3A_78] : memref<10000xi32, #tpu.memory_space<vmem>> -> memref<80xi32, #tpu.memory_space<vmem>>
      %dma_wait3A_80 = arith.constant 0 : i32
      %dma_wait3A_81 = arith.constant 0 : i32
      %dma_wait3A_82 = tpu.memref_slice %arg2[%dma_wait3A_80, %dma_wait3A_81] : memref<10240x128xf32, #tpu.memory_space<hbm>> -> memref<10240x128xf32, #tpu.memory_space<hbm>>
      tpu.wait_indirect_dma semaphore(%arg14 : memref<!tpu.dma_semaphore, #tpu.memory_space<semaphore_mem>>) src(%dma_wait3A_82 : memref<10240x128xf32, #tpu.memory_space<hbm>>) dst(%arg10 : memref<80x128xf32, #tpu.memory_space<vmem>>)
      %add3A_83 = arith.constant 1 : i32
      %add3A_84 = arith.addi %add3A_56, %add3A_83 : i32
      "tpu.region"() ({
        %run_scoped3A_85 = tpu.sem_alloc : memref<!tpu.dma_semaphore, #tpu.memory_space<semaphore_mem>>
        %dma_start3A_86 = arith.constant 0 : i32
        %dma_start3A_87 = tpu.memref_slice %arg8[%add3A_84, %dma_start3A_86] : memref<125x80xi32, #tpu.memory_space<vmem>> -> memref<1x80xi32, #tpu.memory_space<vmem>>
        %dma_start3A_88 = tpu.memref_squeeze %dma_start3A_87 : memref<1x80xi32, #tpu.memory_space<vmem>> -> memref<80xi32, #tpu.memory_space<vmem>>
        %dma_start3A_89 = arith.constant 0 : i32
        %dma_start3A_90 = arith.constant 0 : i32
        %dma_start3A_91 = tpu.memref_slice %arg11[%dma_start3A_89, %dma_start3A_90] : memref<10240x128xf32, #tpu.memory_space<vmem_shared>> -> memref<10240x128xf32, #tpu.memory_space<vmem_shared>>
        tpu.enqueue_indirect_dma source(%arg10 : memref<80x128xf32, #tpu.memory_space<vmem>>) target(%dma_start3A_91 : memref<10240x128xf32, #tpu.memory_space<vmem_shared>>) offsets(%dma_start3A_88 : memref<80xi32, #tpu.memory_space<vmem>>) semaphore(%run_scoped3A_85 : memref<!tpu.dma_semaphore, #tpu.memory_space<semaphore_mem>>) {add = true}
        %dma_wait3A_92 = arith.constant 0 : i32
        %dma_wait3A_93 = tpu.memref_slice %arg8[%add3A_84, %dma_wait3A_92] : memref<125x80xi32, #tpu.memory_space<vmem>> -> memref<1x80xi32, #tpu.memory_space<vmem>>
        %dma_wait3A_94 = tpu.memref_squeeze %dma_wait3A_93 : memref<1x80xi32, #tpu.memory_space<vmem>> -> memref<80xi32, #tpu.memory_space<vmem>>
        %dma_wait3A_95 = arith.constant 0 : i32
        %dma_wait3A_96 = arith.constant 0 : i32
        %dma_wait3A_97 = tpu.memref_slice %arg11[%dma_wait3A_95, %dma_wait3A_96] : memref<10240x128xf32, #tpu.memory_space<vmem_shared>> -> memref<10240x128xf32, #tpu.memory_space<vmem_shared>>
        tpu.wait_indirect_dma semaphore(%run_scoped3A_85 : memref<!tpu.dma_semaphore, #tpu.memory_space<semaphore_mem>>) src(%arg10 : memref<80x128xf32, #tpu.memory_space<vmem>>) dst(%dma_wait3A_97 : memref<10240x128xf32, #tpu.memory_space<vmem_shared>>)
        tpu.yield
      }) : () -> ()
    }
    %scan3A_41 = arith.constant 62 : i32
    %dma_wait3A_42 = arith.constant 9920 : i32
    %dma_wait3A_43 = tpu.memref_slice %arg7[%dma_wait3A_42] : memref<10000xi32, #tpu.memory_space<vmem>> -> memref<80xi32, #tpu.memory_space<vmem>>
    %dma_wait3A_44 = arith.constant 0 : i32
    %dma_wait3A_45 = arith.constant 0 : i32
    %dma_wait3A_46 = tpu.memref_slice %arg2[%dma_wait3A_44, %dma_wait3A_45] : memref<10240x128xf32, #tpu.memory_space<hbm>> -> memref<10240x128xf32, #tpu.memory_space<hbm>>
    tpu.wait_indirect_dma semaphore(%arg13 : memref<!tpu.dma_semaphore, #tpu.memory_space<semaphore_mem>>) src(%dma_wait3A_46 : memref<10240x128xf32, #tpu.memory_space<hbm>>) dst(%arg9 : memref<80x128xf32, #tpu.memory_space<vmem>>)
    %run_scoped3A = arith.constant 124 : i32
    "tpu.region"() ({
      %run_scoped3A_52 = tpu.sem_alloc : memref<!tpu.dma_semaphore, #tpu.memory_space<semaphore_mem>>
      %dma_start3A_53 = arith.constant 0 : i32
      %dma_start3A_54 = tpu.memref_slice %arg8[%run_scoped3A, %dma_start3A_53] : memref<125x80xi32, #tpu.memory_space<vmem>> -> memref<1x80xi32, #tpu.memory_space<vmem>>
      %dma_start3A_55 = tpu.memref_squeeze %dma_start3A_54 : memref<1x80xi32, #tpu.memory_space<vmem>> -> memref<80xi32, #tpu.memory_space<vmem>>
      %dma_start3A_56 = arith.constant 0 : i32
      %dma_start3A_57 = arith.constant 0 : i32
      %dma_start3A_58 = tpu.memref_slice %arg11[%dma_start3A_56, %dma_start3A_57] : memref<10240x128xf32, #tpu.memory_space<vmem_shared>> -> memref<10240x128xf32, #tpu.memory_space<vmem_shared>>
      tpu.enqueue_indirect_dma source(%arg9 : memref<80x128xf32, #tpu.memory_space<vmem>>) target(%dma_start3A_58 : memref<10240x128xf32, #tpu.memory_space<vmem_shared>>) offsets(%dma_start3A_55 : memref<80xi32, #tpu.memory_space<vmem>>) semaphore(%run_scoped3A_52 : memref<!tpu.dma_semaphore, #tpu.memory_space<semaphore_mem>>) {add = true}
      %dma_wait3A_59 = arith.constant 0 : i32
      %dma_wait3A_60 = tpu.memref_slice %arg8[%run_scoped3A, %dma_wait3A_59] : memref<125x80xi32, #tpu.memory_space<vmem>> -> memref<1x80xi32, #tpu.memory_space<vmem>>
      %dma_wait3A_61 = tpu.memref_squeeze %dma_wait3A_60 : memref<1x80xi32, #tpu.memory_space<vmem>> -> memref<80xi32, #tpu.memory_space<vmem>>
      %dma_wait3A_62 = arith.constant 0 : i32
      %dma_wait3A_63 = arith.constant 0 : i32
      %dma_wait3A_64 = tpu.memref_slice %arg11[%dma_wait3A_62, %dma_wait3A_63] : memref<10240x128xf32, #tpu.memory_space<vmem_shared>> -> memref<10240x128xf32, #tpu.memory_space<vmem_shared>>
      tpu.wait_indirect_dma semaphore(%run_scoped3A_52 : memref<!tpu.dma_semaphore, #tpu.memory_space<semaphore_mem>>) src(%arg9 : memref<80x128xf32, #tpu.memory_space<vmem>>) dst(%dma_wait3A_64 : memref<10240x128xf32, #tpu.memory_space<vmem_shared>>)
      tpu.yield
    }) : () -> ()
    %barrier3A_47 = arith.constant 0 : index
    tpu.barrier barrier_id(%barrier3A_47)
    %mul3A_48 = arith.constant 640 : i32
    %mul3A_49 = arith.muli %arg1, %mul3A_48 : i32
    %mul3A_50 = arith.constant 640 : i32
    %mul3A_51 = arith.muli %arg1, %mul3A_50 : i32
    "tpu.region"() ({
      %run_scoped3A_52 = tpu.sem_alloc : memref<!tpu.dma_semaphore, #tpu.memory_space<semaphore_mem>>
      %dma_start3A_53 = arith.constant 0 : i32
      %dma_start3A_54 = arith.constant 0 : i32
      %dma_start3A_55 = tpu.memref_slice %arg6[%arg0, %dma_start3A_53, %dma_start3A_54] : memref<2x10240x128xf32, #tpu.memory_space<hbm>> -> memref<1x10240x128xf32, #tpu.memory_space<hbm>>
      %dma_start3A_56 = tpu.memref_squeeze %dma_start3A_55 : memref<1x10240x128xf32, #tpu.memory_space<hbm>> -> memref<10240x128xf32, #tpu.memory_space<hbm>>
      %dma_start3A_57 = arith.constant 0 : i32
      %dma_start3A_58 = tpu.memref_slice %dma_start3A_56[%mul3A_51, %dma_start3A_57] : memref<10240x128xf32, #tpu.memory_space<hbm>> -> memref<640x128xf32, #tpu.memory_space<hbm>>
      %dma_start3A_59 = arith.constant 0 : i32
      %dma_start3A_60 = tpu.memref_slice %arg11[%mul3A_49, %dma_start3A_59] : memref<10240x128xf32, #tpu.memory_space<vmem_shared>> -> memref<640x128xf32, #tpu.memory_space<vmem_shared>>
      tpu.enqueue_dma source(%dma_start3A_60 : memref<640x128xf32, #tpu.memory_space<vmem_shared>>) target(%dma_start3A_58 : memref<640x128xf32, #tpu.memory_space<hbm>>) target_semaphore(%run_scoped3A_52 : memref<!tpu.dma_semaphore, #tpu.memory_space<semaphore_mem>>)
      %dma_wait3A_61 = arith.constant 0 : i32
      %dma_wait3A_62 = arith.constant 0 : i32
      %dma_wait3A_63 = tpu.memref_slice %arg6[%arg0, %dma_wait3A_61, %dma_wait3A_62] : memref<2x10240x128xf32, #tpu.memory_space<hbm>> -> memref<1x10240x128xf32, #tpu.memory_space<hbm>>
      %dma_wait3A_64 = tpu.memref_squeeze %dma_wait3A_63 : memref<1x10240x128xf32, #tpu.memory_space<hbm>> -> memref<10240x128xf32, #tpu.memory_space<hbm>>
      %dma_wait3A_65 = arith.constant 0 : i32
      %dma_wait3A_66 = tpu.memref_slice %dma_wait3A_64[%mul3A_51, %dma_wait3A_65] : memref<10240x128xf32, #tpu.memory_space<hbm>> -> memref<640x128xf32, #tpu.memory_space<hbm>>
      %dma_wait3A_67 = arith.constant 0 : i32
      %dma_wait3A_68 = tpu.memref_slice %arg11[%mul3A_49, %dma_wait3A_67] : memref<10240x128xf32, #tpu.memory_space<vmem_shared>> -> memref<640x128xf32, #tpu.memory_space<vmem_shared>>
      tpu.wait_dma2 semaphore(%run_scoped3A_52 : memref<!tpu.dma_semaphore, #tpu.memory_space<semaphore_mem>>) src(%dma_wait3A_68 : memref<640x128xf32, #tpu.memory_space<vmem_shared>>) dst(%dma_wait3A_66 : memref<640x128xf32, #tpu.memory_space<hbm>>)
      tpu.yield
    }) : () -> ()
    return
  }
}

module attributes {stable_mosaic.version = 14 : i64} {
  func.func @body(%arg0: i32, %arg1: memref<1024x1xi32, #tpu.memory_space<vmem>>, %arg2: memref<128x128xf32, #tpu.memory_space<vmem>>, %arg3: memref<1024x128xf32, #tpu.memory_space<vmem>>) attributes {dimension_semantics = [#tpu.dimension_semantics<arbitrary>], iteration_bounds = array<i64: 10>, scalar_prefetch = 0 : i64, scratch_operands = 0 : i64, tpu.core_type = #tpu.core_type<tc>, window_params = [{transform_indices = @transform_0, window_bounds = array<i64: 1024, 1>}, {pipeline_mode = #tpu.pipeline_mode<synchronous>, transform_indices = @transform_1, window_bounds = array<i64: 128, 128>}, {transform_indices = @transform_2, window_bounds = array<i64: 1024, 128>}]} {
    %get3A = arith.constant 0 : index
    %get3A_0 = arith.constant 0 : index
    %get3A_1 = vector.load %arg1[%get3A, %get3A_0] : memref<1024x1xi32, #tpu.memory_space<vmem>>, vector<1024x1xi32>
    %iota3A = tpu.iota {dimensions = array<i32: 1>} : vector<1024x128xi32>
    %eq3A = vector.broadcast %get3A_1 : vector<1024x1xi32> to vector<1024x128xi32>
    %eq3A_2 = arith.cmpi eq, %eq3A, %iota3A : vector<1024x128xi32>
    %convert_element_type3A = arith.extui %eq3A_2 : vector<1024x128xi1> to vector<1024x128xi32>
    %convert_element_type3A_3 = arith.sitofp %convert_element_type3A : vector<1024x128xi32> to vector<1024x128xf32>
    %get3A_4 = arith.constant 0 : index
    %get3A_5 = arith.constant 0 : index
    %get3A_6 = vector.load %arg2[%get3A_4, %get3A_5] : memref<128x128xf32, #tpu.memory_space<vmem>>, vector<128x128xf32>
    %dot_general3A = arith.constant dense<0.000000e+00> : vector<1024x128xf32>
    %dot_general3A_7 = tpu.matmul %convert_element_type3A_3, %get3A_6, %dot_general3A {dimension_numbers = #tpu.dot_dimension_numbers<[1], [0], [0], [1], [0, 0, 1, 1], [], []>, transpose_lhs_hint = false} : vector<1024x128xf32>, vector<128x128xf32>, vector<1024x128xf32> -> vector<1024x128xf32>
    %swap3A = arith.constant 0 : index
    %swap3A_8 = arith.constant 0 : index
    %swap3A_9 = vector.load %arg3[%swap3A, %swap3A_8] : memref<1024x128xf32, #tpu.memory_space<vmem>>, vector<1024x128xf32>
    tpu.vector_store %arg3[%swap3A, %swap3A_8], %dot_general3A_7 {strides = array<i32>} : memref<1024x128xf32, #tpu.memory_space<vmem>>, vector<1024x128xf32>,
    return
  }
  func.func @transform_0(%arg0: i32) -> (i32, i32) {
    %c0_i32 = arith.constant 0 : i32
    %c0_i32_0 = arith.constant 0 : i32
    return %arg0, %c0_i32 : i32, i32
  }
  func.func @transform_1(%arg0: i32) -> (i32, i32) {
    %c0_i32 = arith.constant 0 : i32
    %c0_i32_0 = arith.constant 0 : i32
    %c0_i32_1 = arith.constant 0 : i32
    return %c0_i32, %c0_i32_0 : i32, i32
  }
  func.func @transform_2(%arg0: i32) -> (i32, i32) {
    %c0_i32 = arith.constant 0 : i32
    %c0_i32_0 = arith.constant 0 : i32
    return %arg0, %c0_i32 : i32, i32
  }
}

module attributes {stable_mosaic.version = 14 : i64} {
  func.func @body(%arg0: i32, %arg1: memref<2x1024x128xf32, #tpu.memory_space<vmem>>, %arg2: memref<1024x128xf32, #tpu.memory_space<vmem>>, %arg3: memref<128x128xf32, #tpu.memory_space<vmem>>, %arg4: memref<1x128xf32, #tpu.memory_space<vmem>>, %arg5: memref<1024x128xf32, #tpu.memory_space<vmem>>) attributes {dimension_semantics = [#tpu.dimension_semantics<arbitrary>], iteration_bounds = array<i64: 10>, scalar_prefetch = 0 : i64, scratch_operands = 0 : i64, tpu.core_type = #tpu.core_type<tc>, window_params = [{transform_indices = @transform_0, window_bounds = array<i64: 2, 1024, 128>}, {transform_indices = @transform_1, window_bounds = array<i64: 1024, 128>}, {pipeline_mode = #tpu.pipeline_mode<synchronous>, transform_indices = @transform_2, window_bounds = array<i64: 128, 128>}, {pipeline_mode = #tpu.pipeline_mode<synchronous>, transform_indices = @transform_3, window_bounds = array<i64: 1, 128>}, {transform_indices = @transform_4, window_bounds = array<i64: 1024, 128>}]} {
    %get3A = arith.constant 0 : index
    %get3A_0 = arith.constant 0 : index
    %get3A_1 = vector.load %arg2[%get3A, %get3A_0] : memref<1024x128xf32, #tpu.memory_space<vmem>>, vector<1024x128xf32>
    %get3A_2 = arith.constant 0 : index
    %get3A_3 = arith.constant 0 : index
    %get3A_4 = arith.constant 0 : index
    %get3A_5 = vector.load %arg1[%get3A_2, %get3A_3, %get3A_4] : memref<2x1024x128xf32, #tpu.memory_space<vmem>>, vector<1x1024x128xf32>
    %get3A_6 = vector.shape_cast %get3A_5 : vector<1x1024x128xf32> to vector<1024x128xf32>
    %add3A = arith.addf %get3A_1, %get3A_6 : vector<1024x128xf32>
    %get3A_7 = arith.constant 1 : index
    %get3A_8 = arith.constant 0 : index
    %get3A_9 = arith.constant 0 : index
    %get3A_10 = vector.load %arg1[%get3A_7, %get3A_8, %get3A_9] : memref<2x1024x128xf32, #tpu.memory_space<vmem>>, vector<1x1024x128xf32>
    %get3A_11 = vector.shape_cast %get3A_10 : vector<1x1024x128xf32> to vector<1024x128xf32>
    %add3A_12 = arith.addf %add3A, %get3A_11 : vector<1024x128xf32>
    %get3A_13 = arith.constant 0 : index
    %get3A_14 = arith.constant 0 : index
    %get3A_15 = vector.load %arg3[%get3A_13, %get3A_14] : memref<128x128xf32, #tpu.memory_space<vmem>>, vector<128x128xf32>
    %dot_general3A = arith.constant dense<0.000000e+00> : vector<1024x128xf32>
    %dot_general3A_16 = tpu.matmul %add3A_12, %get3A_15, %dot_general3A {dimension_numbers = #tpu.dot_dimension_numbers<[1], [0], [0], [1], [0, 0, 1, 1], [], []>, transpose_lhs_hint = false} : vector<1024x128xf32>, vector<128x128xf32>, vector<1024x128xf32> -> vector<1024x128xf32>
    %get3A_17 = arith.constant 0 : index
    %get3A_18 = arith.constant 0 : index
    %get3A_19 = vector.load %arg4[%get3A_17, %get3A_18] : memref<1x128xf32, #tpu.memory_space<vmem>>, vector<1x128xf32>
    %add3A_20 = vector.broadcast %get3A_19 : vector<1x128xf32> to vector<1024x128xf32>
    %add3A_21 = arith.addf %dot_general3A_16, %add3A_20 : vector<1024x128xf32>
    %max3A = arith.constant 0.000000e+00 : f32
    %max3A_22 = vector.broadcast %max3A : f32 to vector<1024x128xf32>
    %max3A_23 = arith.maximumf %add3A_21, %max3A_22 : vector<1024x128xf32>
    %swap3A = arith.constant 0 : index
    %swap3A_24 = arith.constant 0 : index
    %swap3A_25 = vector.load %arg5[%swap3A, %swap3A_24] : memref<1024x128xf32, #tpu.memory_space<vmem>>, vector<1024x128xf32>
    tpu.vector_store %arg5[%swap3A, %swap3A_24], %max3A_23 {strides = array<i32>} : memref<1024x128xf32, #tpu.memory_space<vmem>>, vector<1024x128xf32>,
    return
  }
  func.func @transform_0(%arg0: i32) -> (i32, i32, i32) {
    %c0_i32 = arith.constant 0 : i32
    %c0_i32_0 = arith.constant 0 : i32
    %c0_i32_1 = arith.constant 0 : i32
    return %c0_i32, %arg0, %c0_i32_0 : i32, i32, i32
  }
  func.func @transform_1(%arg0: i32) -> (i32, i32) {
    %c0_i32 = arith.constant 0 : i32
    %c0_i32_0 = arith.constant 0 : i32
    return %arg0, %c0_i32 : i32, i32
  }
  func.func @transform_2(%arg0: i32) -> (i32, i32) {
    %c0_i32 = arith.constant 0 : i32
    %c0_i32_0 = arith.constant 0 : i32
    %c0_i32_1 = arith.constant 0 : i32
    return %c0_i32, %c0_i32_0 : i32, i32
  }
  func.func @transform_3(%arg0: i32) -> (i32, i32) {
    %c0_i32 = arith.constant 0 : i32
    %c0_i32_0 = arith.constant 0 : i32
    %c0_i32_1 = arith.constant 0 : i32
    return %c0_i32, %c0_i32_0 : i32, i32
  }
  func.func @transform_4(%arg0: i32) -> (i32, i32) {
    %c0_i32 = arith.constant 0 : i32
    %c0_i32_0 = arith.constant 0 : i32
    return %arg0, %c0_i32 : i32, i32
  }
}

module attributes {stable_mosaic.version = 14 : i64} {
  func.func @body(%arg0: i32, %arg1: memref<512x128xf32, #tpu.memory_space<vmem>>, %arg2: memref<128x2048xf32, #tpu.memory_space<vmem>>, %arg3: memref<1x2048xf32, #tpu.memory_space<vmem>>, %arg4: memref<1x2048xf32, #tpu.memory_space<vmem>>, %arg5: memref<1x2048xf32, #tpu.memory_space<vmem>>, %arg6: memref<1x2048xf32, #tpu.memory_space<vmem>>) attributes {dimension_semantics = [#tpu.dimension_semantics<arbitrary>], iteration_bounds = array<i64: 20>, scalar_prefetch = 0 : i64, scratch_operands = 1 : i64, tpu.core_type = #tpu.core_type<tc>, window_params = [{transform_indices = @transform_0, window_bounds = array<i64: 512, 128>}, {pipeline_mode = #tpu.pipeline_mode<synchronous>, transform_indices = @transform_1, window_bounds = array<i64: 128, 2048>}, {pipeline_mode = #tpu.pipeline_mode<synchronous>, transform_indices = @transform_2, window_bounds = array<i64: 1, 2048>}, {pipeline_mode = #tpu.pipeline_mode<synchronous>, transform_indices = @transform_3, window_bounds = array<i64: 1, 2048>}, {pipeline_mode = #tpu.pipeline_mode<synchronous>, transform_indices = @transform_4, window_bounds = array<i64: 1, 2048>}]} {
    %eq3A = arith.constant 0 : i32
    %eq3A_0 = arith.cmpi eq, %arg0, %eq3A : i32
    %convert_element_type3A = arith.extui %eq3A_0 : i1 to i32
    %cond3A = arith.constant 0 : i32
    %cond3A_1 = arith.cmpi ne, %convert_element_type3A, %cond3A : i32
    scf.if %cond3A_1 {
      %get3A_28 = arith.constant 0 : index
      %get3A_29 = arith.constant 0 : index
      %get3A_30 = vector.load %arg4[%get3A_28, %get3A_29] : memref<1x2048xf32, #tpu.memory_space<vmem>>, vector<1x2048xf32>
      %swap3A = arith.constant 0 : index
      %swap3A_31 = arith.constant 0 : index
      %swap3A_32 = vector.load %arg6[%swap3A, %swap3A_31] : memref<1x2048xf32, #tpu.memory_space<vmem>>, vector<1x2048xf32>
      tpu.vector_store %arg6[%swap3A, %swap3A_31], %get3A_30 {strides = array<i32>} : memref<1x2048xf32, #tpu.memory_space<vmem>>, vector<1x2048xf32>,
    } else {
    }
    %get3A = arith.constant 0 : index
    %get3A_2 = arith.constant 0 : index
    %get3A_3 = vector.load %arg1[%get3A, %get3A_2] : memref<512x128xf32, #tpu.memory_space<vmem>>, vector<512x128xf32>
    %get3A_4 = arith.constant 0 : index
    %get3A_5 = arith.constant 0 : index
    %get3A_6 = vector.load %arg2[%get3A_4, %get3A_5] : memref<128x2048xf32, #tpu.memory_space<vmem>>, vector<128x2048xf32>
    %dot_general3A = arith.constant dense<0.000000e+00> : vector<512x2048xf32>
    %dot_general3A_7 = tpu.matmul %get3A_3, %get3A_6, %dot_general3A {dimension_numbers = #tpu.dot_dimension_numbers<[1], [0], [0], [1], [0, 0, 1, 1], [], []>, transpose_lhs_hint = false} : vector<512x128xf32>, vector<128x2048xf32>, vector<512x2048xf32> -> vector<512x2048xf32>
    %get3A_8 = arith.constant 0 : index
    %get3A_9 = arith.constant 0 : index
    %get3A_10 = vector.load %arg3[%get3A_8, %get3A_9] : memref<1x2048xf32, #tpu.memory_space<vmem>>, vector<1x2048xf32>
    %add3A = vector.broadcast %get3A_10 : vector<1x2048xf32> to vector<512x2048xf32>
    %add3A_11 = arith.addf %dot_general3A_7, %add3A : vector<512x2048xf32>
    %reduce_max3A = arith.constant dense<0xFF800000> : vector<512xf32>
    %reduce_max3A_12 = vector.multi_reduction <maximumf>, %add3A_11, %reduce_max3A [1] : vector<512x2048xf32> to vector<512xf32>
    %broadcast_in_dim3A = vector.shape_cast %reduce_max3A_12 : vector<512xf32> to vector<512x1xf32>
    %sub3A = vector.broadcast %broadcast_in_dim3A : vector<512x1xf32> to vector<512x2048xf32>
    %sub3A_13 = arith.subf %add3A_11, %sub3A : vector<512x2048xf32>
    %exp3A = math.exp %sub3A_13 : vector<512x2048xf32>
    %reduce_sum3A = arith.constant dense<0.000000e+00> : vector<512xf32>
    %reduce_sum3A_14 = vector.multi_reduction <add>, %exp3A, %reduce_sum3A [1] : vector<512x2048xf32> to vector<512xf32>
    %broadcast_in_dim3A_15 = vector.shape_cast %reduce_sum3A_14 : vector<512xf32> to vector<512x1xf32>
    %div3A = arith.constant 1.000000e+00 : f32
    %div3A_16 = vector.broadcast %div3A : f32 to vector<512x1xf32>
    %div3A_17 = arith.divf %div3A_16, %broadcast_in_dim3A_15 : vector<512x1xf32>
    %mul3A = vector.broadcast %div3A_17 : vector<512x1xf32> to vector<512x2048xf32>
    %mul3A_18 = arith.mulf %exp3A, %mul3A : vector<512x2048xf32>
    %lt3A = arith.constant 19 : i32
    %lt3A_19 = arith.cmpi slt, %arg0, %lt3A : i32
    %convert_element_type3A_20 = arith.extui %lt3A_19 : i1 to i32
    %cond3A_21 = arith.constant 0 : i32
    %cond3A_22 = arith.cmpi ne, %convert_element_type3A_20, %cond3A_21 : i32
    scf.if %cond3A_22 {
      %get3A_28 = arith.constant 0 : index
      %get3A_29 = arith.constant 0 : index
      %get3A_30 = vector.load %arg6[%get3A_28, %get3A_29] : memref<1x2048xf32, #tpu.memory_space<vmem>>, vector<1x2048xf32>
      %reduce_sum3A_31 = arith.constant dense<0.000000e+00> : vector<2048xf32>
      %reduce_sum3A_32 = vector.multi_reduction <add>, %mul3A_18, %reduce_sum3A_31 [0] : vector<512x2048xf32> to vector<2048xf32>
      %broadcast_in_dim3A_33 = vector.shape_cast %reduce_sum3A_32 : vector<2048xf32> to vector<1x2048xf32>
      %add3A_34 = arith.addf %get3A_30, %broadcast_in_dim3A_33 : vector<1x2048xf32>
      %swap3A = arith.constant 0 : index
      %swap3A_35 = arith.constant 0 : index
      %swap3A_36 = vector.load %arg6[%swap3A, %swap3A_35] : memref<1x2048xf32, #tpu.memory_space<vmem>>, vector<1x2048xf32>
      tpu.vector_store %arg6[%swap3A, %swap3A_35], %add3A_34 {strides = array<i32>} : memref<1x2048xf32, #tpu.memory_space<vmem>>, vector<1x2048xf32>,
    } else {
    }
    %eq3A_23 = arith.constant 19 : i32
    %eq3A_24 = arith.cmpi eq, %arg0, %eq3A_23 : i32
    %convert_element_type3A_25 = arith.extui %eq3A_24 : i1 to i32
    %cond3A_26 = arith.constant 0 : i32
    %cond3A_27 = arith.cmpi ne, %convert_element_type3A_25, %cond3A_26 : i32
    scf.if %cond3A_27 {
      %mul3A_28 = arith.constant 512 : i32
      %mul3A_29 = arith.muli %arg0, %mul3A_28 : i32
      %iota3A = tpu.iota {dimensions = array<i32: 0>} : vector<512x1xi32>
      %add3A_30 = vector.broadcast %mul3A_29 : i32 to vector<512x1xi32>
      %add3A_31 = arith.addi %add3A_30, %iota3A : vector<512x1xi32>
      %lt3A_32 = arith.constant 10000 : i32
      %lt3A_33 = vector.broadcast %lt3A_32 : i32 to vector<512x1xi32>
      %lt3A_34 = arith.cmpi slt, %add3A_31, %lt3A_33 : vector<512x1xi32>
      %jit3A = arith.constant 0.000000e+00 : f32
      %broadcast_in_dim3A_35 = vector.shape_cast %lt3A_34 : vector<512x1xi1> to vector<512x1xi1>
      %broadcast_in_dim3A_36 = vector.broadcast %broadcast_in_dim3A_35 : vector<512x1xi1> to vector<512x2048xi1>
      %broadcast_in_dim3A_37 = vector.broadcast %jit3A : f32 to vector<512x2048xf32>
      %select_n3A = arith.select %broadcast_in_dim3A_36, %mul3A_18, %broadcast_in_dim3A_37 : vector<512x2048xi1>, vector<512x2048xf32>
      %get3A_38 = arith.constant 0 : index
      %get3A_39 = arith.constant 0 : index
      %get3A_40 = vector.load %arg6[%get3A_38, %get3A_39] : memref<1x2048xf32, #tpu.memory_space<vmem>>, vector<1x2048xf32>
      %reduce_sum3A_41 = arith.constant dense<0.000000e+00> : vector<2048xf32>
      %reduce_sum3A_42 = vector.multi_reduction <add>, %select_n3A, %reduce_sum3A_41 [0] : vector<512x2048xf32> to vector<2048xf32>
      %broadcast_in_dim3A_43 = vector.shape_cast %reduce_sum3A_42 : vector<2048xf32> to vector<1x2048xf32>
      %add3A_44 = arith.addf %get3A_40, %broadcast_in_dim3A_43 : vector<1x2048xf32>
      %swap3A = arith.constant 0 : index
      %swap3A_45 = arith.constant 0 : index
      %swap3A_46 = vector.load %arg5[%swap3A, %swap3A_45] : memref<1x2048xf32, #tpu.memory_space<vmem>>, vector<1x2048xf32>
      tpu.vector_store %arg5[%swap3A, %swap3A_45], %add3A_44 {strides = array<i32>} : memref<1x2048xf32, #tpu.memory_space<vmem>>, vector<1x2048xf32>,
    } else {
    }
    return
  }
  func.func @transform_0(%arg0: i32) -> (i32, i32) {
    %c0_i32 = arith.constant 0 : i32
    %c0_i32_0 = arith.constant 0 : i32
    return %arg0, %c0_i32 : i32, i32
  }
  func.func @transform_1(%arg0: i32) -> (i32, i32) {
    %c0_i32 = arith.constant 0 : i32
    %c0_i32_0 = arith.constant 0 : i32
    %c0_i32_1 = arith.constant 0 : i32
    return %c0_i32, %c0_i32_0 : i32, i32
  }
  func.func @transform_2(%arg0: i32) -> (i32, i32) {
    %c0_i32 = arith.constant 0 : i32
    %c0_i32_0 = arith.constant 0 : i32
    %c0_i32_1 = arith.constant 0 : i32
    return %c0_i32, %c0_i32_0 : i32, i32
  }
  func.func @transform_3(%arg0: i32) -> (i32, i32) {
    %c0_i32 = arith.constant 0 : i32
    %c0_i32_0 = arith.constant 0 : i32
    %c0_i32_1 = arith.constant 0 : i32
    return %c0_i32, %c0_i32_0 : i32, i32
  }
  func.func @transform_4(%arg0: i32) -> (i32, i32) {
    %c0_i32 = arith.constant 0 : i32
    %c0_i32_0 = arith.constant 0 : i32
    %c0_i32_1 = arith.constant 0 : i32
    return %c0_i32, %c0_i32_0 : i32, i32
  }
}

module attributes {stable_mosaic.version = 14 : i64} {
  func.func @body(%arg0: i32, %arg1: memref<512x128xf32, #tpu.memory_space<vmem>>, %arg2: memref<128x2048xf32, #tpu.memory_space<vmem>>, %arg3: memref<1x2048xf32, #tpu.memory_space<vmem>>, %arg4: memref<1x2048xf32, #tpu.memory_space<vmem>>, %arg5: memref<1x2048xf32, #tpu.memory_space<vmem>>, %arg6: memref<1x2048xf32, #tpu.memory_space<vmem>>) attributes {dimension_semantics = [#tpu.dimension_semantics<arbitrary>], iteration_bounds = array<i64: 20>, scalar_prefetch = 0 : i64, scratch_operands = 1 : i64, tpu.core_type = #tpu.core_type<tc>, window_params = [{transform_indices = @transform_0, window_bounds = array<i64: 512, 128>}, {pipeline_mode = #tpu.pipeline_mode<synchronous>, transform_indices = @transform_1, window_bounds = array<i64: 128, 2048>}, {pipeline_mode = #tpu.pipeline_mode<synchronous>, transform_indices = @transform_2, window_bounds = array<i64: 1, 2048>}, {pipeline_mode = #tpu.pipeline_mode<synchronous>, transform_indices = @transform_3, window_bounds = array<i64: 1, 2048>}, {pipeline_mode = #tpu.pipeline_mode<synchronous>, transform_indices = @transform_4, window_bounds = array<i64: 1, 2048>}]} {
    %eq3A = arith.constant 0 : i32
    %eq3A_0 = arith.cmpi eq, %arg0, %eq3A : i32
    %convert_element_type3A = arith.extui %eq3A_0 : i1 to i32
    %cond3A = arith.constant 0 : i32
    %cond3A_1 = arith.cmpi ne, %convert_element_type3A, %cond3A : i32
    scf.if %cond3A_1 {
      %get3A_28 = arith.constant 0 : index
      %get3A_29 = arith.constant 0 : index
      %get3A_30 = vector.load %arg4[%get3A_28, %get3A_29] : memref<1x2048xf32, #tpu.memory_space<vmem>>, vector<1x2048xf32>
      %swap3A = arith.constant 0 : index
      %swap3A_31 = arith.constant 0 : index
      %swap3A_32 = vector.load %arg6[%swap3A, %swap3A_31] : memref<1x2048xf32, #tpu.memory_space<vmem>>, vector<1x2048xf32>
      tpu.vector_store %arg6[%swap3A, %swap3A_31], %get3A_30 {strides = array<i32>} : memref<1x2048xf32, #tpu.memory_space<vmem>>, vector<1x2048xf32>,
    } else {
    }
    %get3A = arith.constant 0 : index
    %get3A_2 = arith.constant 0 : index
    %get3A_3 = vector.load %arg1[%get3A, %get3A_2] : memref<512x128xf32, #tpu.memory_space<vmem>>, vector<512x128xf32>
    %get3A_4 = arith.constant 0 : index
    %get3A_5 = arith.constant 0 : index
    %get3A_6 = vector.load %arg2[%get3A_4, %get3A_5] : memref<128x2048xf32, #tpu.memory_space<vmem>>, vector<128x2048xf32>
    %dot_general3A = arith.constant dense<0.000000e+00> : vector<512x2048xf32>
    %dot_general3A_7 = tpu.matmul %get3A_3, %get3A_6, %dot_general3A {dimension_numbers = #tpu.dot_dimension_numbers<[1], [0], [0], [1], [0, 0, 1, 1], [], []>, transpose_lhs_hint = false} : vector<512x128xf32>, vector<128x2048xf32>, vector<512x2048xf32> -> vector<512x2048xf32>
    %get3A_8 = arith.constant 0 : index
    %get3A_9 = arith.constant 0 : index
    %get3A_10 = vector.load %arg3[%get3A_8, %get3A_9] : memref<1x2048xf32, #tpu.memory_space<vmem>>, vector<1x2048xf32>
    %add3A = vector.broadcast %get3A_10 : vector<1x2048xf32> to vector<512x2048xf32>
    %add3A_11 = arith.addf %dot_general3A_7, %add3A : vector<512x2048xf32>
    %reduce_max3A = arith.constant dense<0xFF800000> : vector<512xf32>
    %reduce_max3A_12 = vector.multi_reduction <maximumf>, %add3A_11, %reduce_max3A [1] : vector<512x2048xf32> to vector<512xf32>
    %broadcast_in_dim3A = vector.shape_cast %reduce_max3A_12 : vector<512xf32> to vector<512x1xf32>
    %sub3A = vector.broadcast %broadcast_in_dim3A : vector<512x1xf32> to vector<512x2048xf32>
    %sub3A_13 = arith.subf %add3A_11, %sub3A : vector<512x2048xf32>
    %exp3A = math.exp %sub3A_13 : vector<512x2048xf32>
    %reduce_sum3A = arith.constant dense<0.000000e+00> : vector<512xf32>
    %reduce_sum3A_14 = vector.multi_reduction <add>, %exp3A, %reduce_sum3A [1] : vector<512x2048xf32> to vector<512xf32>
    %broadcast_in_dim3A_15 = vector.shape_cast %reduce_sum3A_14 : vector<512xf32> to vector<512x1xf32>
    %div3A = arith.constant 1.000000e+00 : f32
    %div3A_16 = vector.broadcast %div3A : f32 to vector<512x1xf32>
    %div3A_17 = arith.divf %div3A_16, %broadcast_in_dim3A_15 : vector<512x1xf32>
    %mul3A = vector.broadcast %div3A_17 : vector<512x1xf32> to vector<512x2048xf32>
    %mul3A_18 = arith.mulf %exp3A, %mul3A : vector<512x2048xf32>
    %lt3A = arith.constant 19 : i32
    %lt3A_19 = arith.cmpi slt, %arg0, %lt3A : i32
    %convert_element_type3A_20 = arith.extui %lt3A_19 : i1 to i32
    %cond3A_21 = arith.constant 0 : i32
    %cond3A_22 = arith.cmpi ne, %convert_element_type3A_20, %cond3A_21 : i32
    scf.if %cond3A_22 {
      %get3A_28 = arith.constant 0 : index
      %get3A_29 = arith.constant 0 : index
      %get3A_30 = vector.load %arg6[%get3A_28, %get3A_29] : memref<1x2048xf32, #tpu.memory_space<vmem>>, vector<1x2048xf32>
      %reduce_sum3A_31 = arith.constant dense<0.000000e+00> : vector<2048xf32>
      %reduce_sum3A_32 = vector.multi_reduction <add>, %mul3A_18, %reduce_sum3A_31 [0] : vector<512x2048xf32> to vector<2048xf32>
      %broadcast_in_dim3A_33 = vector.shape_cast %reduce_sum3A_32 : vector<2048xf32> to vector<1x2048xf32>
      %add3A_34 = arith.addf %get3A_30, %broadcast_in_dim3A_33 : vector<1x2048xf32>
      %swap3A = arith.constant 0 : index
      %swap3A_35 = arith.constant 0 : index
      %swap3A_36 = vector.load %arg6[%swap3A, %swap3A_35] : memref<1x2048xf32, #tpu.memory_space<vmem>>, vector<1x2048xf32>
      tpu.vector_store %arg6[%swap3A, %swap3A_35], %add3A_34 {strides = array<i32>} : memref<1x2048xf32, #tpu.memory_space<vmem>>, vector<1x2048xf32>,
    } else {
    }
    %eq3A_23 = arith.constant 19 : i32
    %eq3A_24 = arith.cmpi eq, %arg0, %eq3A_23 : i32
    %convert_element_type3A_25 = arith.extui %eq3A_24 : i1 to i32
    %cond3A_26 = arith.constant 0 : i32
    %cond3A_27 = arith.cmpi ne, %convert_element_type3A_25, %cond3A_26 : i32
    scf.if %cond3A_27 {
      %mul3A_28 = arith.constant 512 : i32
      %mul3A_29 = arith.muli %arg0, %mul3A_28 : i32
      %iota3A = tpu.iota {dimensions = array<i32: 0>} : vector<512x1xi32>
      %add3A_30 = vector.broadcast %mul3A_29 : i32 to vector<512x1xi32>
      %add3A_31 = arith.addi %add3A_30, %iota3A : vector<512x1xi32>
      %lt3A_32 = arith.constant 10000 : i32
      %lt3A_33 = vector.broadcast %lt3A_32 : i32 to vector<512x1xi32>
      %lt3A_34 = arith.cmpi slt, %add3A_31, %lt3A_33 : vector<512x1xi32>
      %jit3A = arith.constant 0.000000e+00 : f32
      %broadcast_in_dim3A_35 = vector.shape_cast %lt3A_34 : vector<512x1xi1> to vector<512x1xi1>
      %broadcast_in_dim3A_36 = vector.broadcast %broadcast_in_dim3A_35 : vector<512x1xi1> to vector<512x2048xi1>
      %broadcast_in_dim3A_37 = vector.broadcast %jit3A : f32 to vector<512x2048xf32>
      %select_n3A = arith.select %broadcast_in_dim3A_36, %mul3A_18, %broadcast_in_dim3A_37 : vector<512x2048xi1>, vector<512x2048xf32>
      %get3A_38 = arith.constant 0 : index
      %get3A_39 = arith.constant 0 : index
      %get3A_40 = vector.load %arg6[%get3A_38, %get3A_39] : memref<1x2048xf32, #tpu.memory_space<vmem>>, vector<1x2048xf32>
      %reduce_sum3A_41 = arith.constant dense<0.000000e+00> : vector<2048xf32>
      %reduce_sum3A_42 = vector.multi_reduction <add>, %select_n3A, %reduce_sum3A_41 [0] : vector<512x2048xf32> to vector<2048xf32>
      %broadcast_in_dim3A_43 = vector.shape_cast %reduce_sum3A_42 : vector<2048xf32> to vector<1x2048xf32>
      %add3A_44 = arith.addf %get3A_40, %broadcast_in_dim3A_43 : vector<1x2048xf32>
      %reduce_max3A_45 = arith.constant dense<0xFF800000> : vector<1xf32>
      %reduce_max3A_46 = vector.multi_reduction <maximumf>, %add3A_44, %reduce_max3A_45 [1] : vector<1x2048xf32> to vector<1xf32>
      %broadcast_in_dim3A_47 = vector.shape_cast %reduce_max3A_46 : vector<1xf32> to vector<1x1xf32>
      %sub3A_48 = vector.broadcast %broadcast_in_dim3A_47 : vector<1x1xf32> to vector<1x2048xf32>
      %sub3A_49 = arith.subf %add3A_44, %sub3A_48 : vector<1x2048xf32>
      %exp3A_50 = math.exp %sub3A_49 : vector<1x2048xf32>
      %reduce_sum3A_51 = arith.constant dense<0.000000e+00> : vector<1xf32>
      %reduce_sum3A_52 = vector.multi_reduction <add>, %exp3A_50, %reduce_sum3A_51 [1] : vector<1x2048xf32> to vector<1xf32>
      %broadcast_in_dim3A_53 = vector.shape_cast %reduce_sum3A_52 : vector<1xf32> to vector<1x1xf32>
      %div3A_54 = arith.constant 1.000000e+00 : f32
      %div3A_55 = vector.broadcast %div3A_54 : f32 to vector<1x1xf32>
      %div3A_56 = arith.divf %div3A_55, %broadcast_in_dim3A_53 : vector<1x1xf32>
      %mul3A_57 = vector.broadcast %div3A_56 : vector<1x1xf32> to vector<1x2048xf32>
      %mul3A_58 = arith.mulf %exp3A_50, %mul3A_57 : vector<1x2048xf32>
      %swap3A = arith.constant 0 : index
      %swap3A_59 = arith.constant 0 : index
      %swap3A_60 = vector.load %arg5[%swap3A, %swap3A_59] : memref<1x2048xf32, #tpu.memory_space<vmem>>, vector<1x2048xf32>
      tpu.vector_store %arg5[%swap3A, %swap3A_59], %mul3A_58 {strides = array<i32>} : memref<1x2048xf32, #tpu.memory_space<vmem>>, vector<1x2048xf32>,
    } else {
    }
    return
  }
  func.func @transform_0(%arg0: i32) -> (i32, i32) {
    %c0_i32 = arith.constant 0 : i32
    %c0_i32_0 = arith.constant 0 : i32
    return %arg0, %c0_i32 : i32, i32
  }
  func.func @transform_1(%arg0: i32) -> (i32, i32) {
    %c0_i32 = arith.constant 0 : i32
    %c0_i32_0 = arith.constant 0 : i32
    %c0_i32_1 = arith.constant 0 : i32
    return %c0_i32, %c0_i32_0 : i32, i32
  }
  func.func @transform_2(%arg0: i32) -> (i32, i32) {
    %c0_i32 = arith.constant 0 : i32
    %c0_i32_0 = arith.constant 0 : i32
    %c0_i32_1 = arith.constant 0 : i32
    return %c0_i32, %c0_i32_0 : i32, i32
  }
  func.func @transform_3(%arg0: i32) -> (i32, i32) {
    %c0_i32 = arith.constant 0 : i32
    %c0_i32_0 = arith.constant 0 : i32
    %c0_i32_1 = arith.constant 0 : i32
    return %c0_i32, %c0_i32_0 : i32, i32
  }
  func.func @transform_4(%arg0: i32) -> (i32, i32) {
    %c0_i32 = arith.constant 0 : i32
    %c0_i32_0 = arith.constant 0 : i32
    %c0_i32_1 = arith.constant 0 : i32
    return %c0_i32, %c0_i32_0 : i32, i32
  }
}

</mosaic_0001>

<sc_bundles>
// kernel: kernel.12.cloned.1.call-start
scs
__scs_entry_jumppad:
0x0: {  	(pc) =	sbr.rel $0x88, $3  }
0x1: {  	(tag) =	ssettag $0x0;
	lr =	simm.s32 $0x1  }
0x2: {  	[smem:$0x3F9A] =	sst lr;
	_ =	strace $0xD0000000  }
0x3: {  	_ = 	snop  }
0x4: {  	_ = 	snop  }
0x5: {  	_ = 	snop  }
0x6: {  	_ = 	snop  }
0x7: {  	_ = 	snop  }
__scs_overlays_trampoline_lowered:
0x8: {  	[smem:$0x3FA9] =	sst s0  }
0x9: {  	[smem:$0x3FAA] =	sst s1  }
0xa: {  	[smem:$0x3FAB] =	sst s2  }
0xb: {  	[smem:$0x3FAC] =	sst s3  }
0xc: {  	[smem:$0x3FAD] =	sst s4  }
0xd: {  	[smem:$0x3FAE] =	sst s5  }
0xe: {  	[smem:$0x3FAF] =	sst s6  }
0xf: {  	[smem:$0x3FB0] =	sst s7  }
0x10: {  	[smem:$0x3FB1] =	sst s8  }
0x11: {  	[smem:$0x3FB2] =	sst s9;
	s0 =	simm.s32 @!p0 $0x0  }
0x12: {  	s1 =	sld [smem:$0x3F98];
	s0 =	simm.s32 @p0 $0x1  }
0x13: {  	[smem:$0x3FB3] =	sst s0;
	s0 =	simm.s32 @!p1 $0x0  }
0x14: {  	s2 =	sld [smem:$0x3F97];
	s0 =	simm.s32 @p1 $0x1  }
0x15: {  	[smem:$0x3FB4] =	sst s0;
	s0 =	simm.s32 @!p2 $0x0  }
0x16: {  	s3 =	sld [smem:$0x3FDB];
	s0 =	simm.s32 @p2 $0x1  }
0x17: {  	s4 =	simm.s32 $0x1BF5;
	[smem:$0x3FB6] =	sst s0  }
0x18: {  	s0 =	sld [smem:$0x3F99];
	_ =	swait.ge [sflag:s4], $0x0  }
0x19: {  	s7 =	sld [smem:$0x3F9A]  }
0x1a: {  	s8 =	sadd.s32 $0xFFFFE003, lr  }
0x1b: {  	s9 =	sadd.s32 $0xFFFFFEF7, lr;
	s5 =	simm.s32 $0xFFFFFFFF;
	p2 =	slt.u32 s8, $0xFFFFF086  }
0x1c: {  	p1 =	slt.u32 s9, $0xF7A;
	s5 =	simm.s32 @!p2 $0x0  }
0x1d: {  	s5 =	simm.s32 @p1 $0x1;
	p0 =	seq.s32 s7, s2  }
0x1e: {  	s7 =	smul.u32 @!p0 $0xF7A, s2;
	p2 =	seq.s32 @!p0 s5, $0x0  }
0x1f: {  	s9 =	smul.u32 $0xF7A, s1;
	s8 =	simm.s32 @!p0 $0x1BF5;
	p2 =	por !p2, p0  }
0x20: {  	[sflag:s8] =	ssyncset.s32 @!p0 $0xFFFFF086;
	s6 =	sadd.s32 @!p0 s3, s7;
	s7 =	simm.s32 @!p0 $0x108  }
0x21: {  	s3 =	sadd.s32 s3, s9;
	s6 =	sadd.s32 @!p0 $0x88, s6;
	s7 =	simm.s32 @p2 $0x1082  }
0x22: {  	[simem:s7], [sflag:s8] =	dma.local @!p0 [hbm:s6], $0xF7A  }
0x23: {  	s9 =	sor.u32 $0xD0000000, s2;
	s6 =	simm.s32 $0x108;
	_ =	swait.ge @!p0 [sflag:s8], $0x0  }
0x24: {  	s3 =	sadd.s32 $0x88, s3;
	s6 =	simm.s32 @!p1 $0x1082;
	[sflag:s4] =	ssyncset.s32 $0xFFFFF086  }
0x25: {  	[simem:s6], [sflag:s4] =	dma.local [hbm:s3], $0xF7A  }
0x26: {  	[smem:$0x3F9A] =	sst s1;
	(tag) =	ssettag s2;
	_ =	strace s9  }
0x27: {  	s1 =	sld [smem:$0x3FAA]  }
0x28: {  	s2 =	sld [smem:$0x3FAB]  }
0x29: {  	s4 =	sld [smem:$0x3FAD]  }
0x2a: {  	p0 =	seq.s32 s5, $0x0;
	s5 =	sld [smem:$0x3FAE]  }
0x2b: {  	s6 =	sld [smem:$0x3FAF]  }
0x2c: {  	s7 =	sld [smem:$0x3FB0]  }
0x2d: {  	s3 =	simm.s32 $0x108;
	s8 =	sld [smem:$0x3FB1]  }
0x2e: {  	s3 =	simm.s32 @!p0 $0x1082;
	s9 =	sld [smem:$0x3FB2]  }
0x2f: {  	lr =	sadd.s32 s0, s3;
	s0 =	sld [smem:$0x3FA9]  }
0x30: {  	s3 =	sld [smem:$0x3FAC]  }
0x31: {  	[smem:$0x3FB5] =	sst s10  }
0x32: {  	s10 =	sld [smem:$0x3FB3];
	_ =	sdelay $0x3  }
0x33: {  	p0 =	seq.s32 s10, $0x1;
	s10 =	sld [smem:$0x3FB5];
	_ =	sdelay $0x3  }
0x34: {  	[smem:$0x3FB5] =	sst s10  }
0x35: {  	s10 =	sld [smem:$0x3FB4];
	_ =	sdelay $0x3  }
0x36: {  	p1 =	seq.s32 s10, $0x1;
	s10 =	sld [smem:$0x3FB5];
	_ =	sdelay $0x3  }
0x37: {  	[smem:$0x3FB5] =	sst s10  }
0x38: {  	s10 =	sld [smem:$0x3FB6]  }
0x39: {  	_ = 	snop;
	(pc) =	sbr.ind lr, $3  }
0x3a: {  	_ = 	snop  }
0x3b: {  	_ = 	snop  }
0x3c: {  	p2 =	seq.s32 s10, $0x1;
	s10 =	sld [smem:$0x3FB5]  }
0x3d: {  	_ =	shalt  }
0x3e: {  	_ =	shalt  }
0x3f: {  	_ =	shalt  }
0x40: {  	_ =	shalt  }
0x41: {  	_ =	shalt  }
0x42: {  	_ =	shalt  }
0x43: {  	_ =	shalt  }
0x44: {  	_ =	shalt  }
0x45: {  	_ =	shalt  }
0x46: {  	_ =	shalt  }
0x47: {  	_ =	shalt  }
0x48: {  	_ =	shalt  }
0x49: {  	_ =	shalt  }
0x4a: {  	_ =	shalt  }
0x4b: {  	_ =	shalt  }
0x4c: {  	_ =	shalt  }
0x4d: {  	_ =	shalt  }
0x4e: {  	_ =	shalt  }
0x4f: {  	_ =	shalt  }
0x50: {  	_ =	shalt  }
0x51: {  	_ =	shalt  }
0x52: {  	_ =	shalt  }
0x53: {  	_ =	shalt  }
0x54: {  	_ =	shalt  }
0x55: {  	_ =	shalt  }
0x56: {  	_ =	shalt  }
0x57: {  	_ =	shalt  }
0x58: {  	_ =	shalt  }
0x59: {  	_ =	shalt  }
0x5a: {  	_ =	shalt  }
0x5b: {  	_ =	shalt  }
0x5c: {  	_ =	shalt  }
0x5d: {  	_ =	shalt  }
0x5e: {  	_ =	shalt  }
0x5f: {  	_ =	shalt  }
0x60: {  	_ =	shalt  }
0x61: {  	_ =	shalt  }
0x62: {  	_ =	shalt  }
0x63: {  	_ =	shalt  }
0x64: {  	_ =	shalt  }
0x65: {  	_ =	shalt  }
0x66: {  	_ =	shalt  }
0x67: {  	_ =	shalt  }
0x68: {  	_ =	shalt  }
0x69: {  	_ =	shalt  }
0x6a: {  	_ =	shalt  }
0x6b: {  	_ =	shalt  }
0x6c: {  	_ =	shalt  }
0x6d: {  	_ =	shalt  }
0x6e: {  	_ =	shalt  }
0x6f: {  	_ =	shalt  }
0x70: {  	_ =	shalt  }
0x71: {  	_ =	shalt  }
0x72: {  	_ =	shalt  }
0x73: {  	_ =	shalt  }
0x74: {  	_ =	shalt  }
0x75: {  	_ =	shalt  }
0x76: {  	_ =	shalt  }
0x77: {  	_ =	shalt  }
0x78: {  	_ =	shalt  }
0x79: {  	_ =	shalt  }
0x7a: {  	_ =	shalt  }
0x7b: {  	_ =	shalt  }
0x7c: {  	_ =	shalt  }
0x7d: {  	_ =	shalt  }
0x7e: {  	_ =	shalt  }
0x7f: {  	_ =	shalt  }
0x80: {  	_ =	shalt  }
0x81: {  	_ =	shalt  }
0x82: {  	_ =	shalt  }
0x83: {  	_ =	shalt  }
0x84: {  	_ =	shalt  }
0x85: {  	_ =	shalt  }
0x86: {  	_ =	shalt  }
0x87: {  	_ =	shalt  }
.Lfunc_end0:
.L_simem_size_0:
called_computation_lowered:
.L_overlay_start_0:
0x88: {  	s2 =	sld [smem:$0x3FD9]  }
0x89: {  	s3 =	sld [smem:$0x3FFE];
	_ =	sdelay $0x1  }
0x8a: {  	s1 =	srdreg.scid  }
0x8b: {  	s0 =	sand.u32 $0x1, s1  }
0x8c: {  	s16 =	sshll.u32 s0, $0xA;
	s2 =	sadd.s32 s3, s2  }
0x8d: {  	s2 =	sadd.s32 s2, s16  }
0x8e: {  	[smem:$0x3FC1] =	sst s2  }
0x8f: {  	_ = 	snop  }
0x90: {  	(tm) =	ssettm $0x1  }
0x91: {  	s17 =	sld [smem:$0x3FFB];
	_ =	sdelay $0x3  }
0x92: {  	_ =	strace s17  }
0x93: {  	s2 =	sld [smem:$0x3FFC];
	_ =	sdelay $0x3  }
0x94: {  	_ =	strace s2  }
0x95: {  	s2 =	sld [smem:$0x3FFD];
	_ =	sdelay $0x3  }
0x96: {  	_ =	strace s2  }
0x97: {  	_ =	strace $0x8FFFFFFF  }
0x98: {  	s18 =	sld [smem:$0x3FDB];
	_ =	sdelay $0x1  }
0x99: {  	s19 =	simm.s32 $_scs_section_size  }
0x9a: {  	s4 =	simm.s32 $_size__tile_overlayer_lowered;
	s5 =	simm.s32 $_tile_overlayer_lowered  }
0x9b: {  	s22 =	simm.s32 $0x1BFF;
	s21 =	sshll.u32 s5, $0x1;
	s2 =	sadd.s32 s19, s18  }
0x9c: {  	s6 =	simm.s32 $0x0;
	s20 =	sshll.u32 s4, $0x1;
	s4 =	sadd.s32 s21, s2  }
0x9d: {  	[timem:s6], [sflag:s22] =	dma.local [hbm:s4], s20  }
0x9e: {  	_ =	swait.ge [sflag:s22], s20  }
0x9f: {  	s3 =	ssub.s32 $0x0, s20;
	[sflag:s22] =	ssyncset.done $0x0  }
0xa0: {  	[sflag:s22] =	ssyncadd.s32 s3;
	_ =	sdelay $0x1  }
0xa1: {  	s23 =	simm.s32 $0x1B8B  }
0xa2: {  	_ =	swait.ge [sflag:s23], $0x1  }
0xa3: {  	[sflag:s23] =	ssyncset.done $0x0  }
0xa4: {  	s25 =	simm.s32 $0x1B8E;
	s24 =	sld [smem:$0x3FFE];
	[sflag:s23] =	ssyncadd.s32 $0xFFFFFFFF  }
0xa5: {  	s26 =	simm.s32 $execute0_lowered;
	[smem:$0x3FD2] =	sst s25  }
0xa6: {  	s4 =	sshll.u32 s26, $0x1;
	_ =	strace $0x80000046;
	[dreg:$0x1] =	wrdreg $0xFFFFFFFF  }
0xa7: {  	s28 =	simm.s32 $_size_execute0_lowered;
	s2 =	sadd.s32 s2, s4;
	[dreg:$0x0] =	wrdreg $0x0  }
0xa8: {  	s4 =	sshll.u32 s28, $0x1;
	[dreg:$0x2] =	wrdreg s2  }
0xa9: {  	[dreg:$0x3] =	wrdreg s4  }
0xaa: {  	[dreg:$0x4] =	wrdreg $0xC0  }
0xab: {  	_ =	task [dreg:s6], $0x5FFFF  }
0xac: {  	[dreg:$0x1] =	wrdreg $0xFFFFFFFF  }
0xad: {  	[dreg:$0x0] =	wrdreg $0x60  }
0xae: {  	[dreg:$0x2] =	wrdreg s24  }
0xaf: {  	[dreg:$0x3] =	wrdreg $0xB7800  }
0xb0: {  	[dreg:$0x4] =	wrdreg $0x9  }
0xb1: {  	_ =	task.clear_ibuf [dreg:s6], $0x5FFFF;
	_ =	strace $0x90000046  }
0xb2: {  	s29 =	simm.s32 $0x9;
	_ =	strace $0x80000048  }
0xb3: {  	_ =	swait.ge [sflag:s29], $0x1  }
0xb4: {  	[sflag:s29] =	ssyncadd.s32 $0xFFFFFFFF  }
0xb5: {  	_ =	strace $0x90000048  }
0xb6: {  	_ =	sfence  }
0xb7: {  	s30 =	sld [smem:$0x0];
	_ =	sdelay $0x2  }
0xb8: {  	s31 =	sshll.u32 s1, $0xD;
	s1 =	sshrl.u32 s1, $0x2  }
0xb9: {  	s3 =	sand.u32 $0x4000, s31;
	s1 =	sadd.s32 s1, s30  }
0xba: {  	s0 =	sor.u32 s3, s0;
	s1 =	sshll.u32 s1, $0x11  }
0xbb: {  	s0 =	sor.u32 s1, s0  }
0xbc: {  	s0 =	sadd.s32 $0x8F2B, s0  }
0xbd: {  	[sflag:s0] =	ssyncadd.remote.s32 $0x1  }
0xbe: {  	_ =	sfence.sel $0xFFFF  }
0xbf: {  	[dreg:$0x0] =	wrdreg $0xFFFFFFFF;
	(pc) =	sbr.abs _section_cstart, $3  }
0xc0: {  	[dreg:$0x1] =	wrdreg $0xFFFFFFFF  }
0xc1: {  	_ =	task.clear_ibuf [dreg:s6], $0x2FFFF;
	_ =	strace $0x9FFFFFFF  }
0xc2: {  	(tm) =	ssettm $0x7FFFFFFF  }
0xc3: {  	_ =	shalt  }
tec
execute0_lowered:
.L_overlay_start_1:
0x0: {  	(tag) =	ssettag $0x1  }
0x1: {  	s7 =	rddreg [dreg:$0x0]  }
0x2: {  	s0 =	srdreg.scid;
	s2 =	rddreg [dreg:$0x1];
	s3 =	simm.s32 $0x0  }
0x3: {  	s14 =	simm.s32 $0x1;
	s15 =	simm.s32 $0x6780;
	s16 =	simm.s32 $0x50  }
0x4: {  	s17 =	simm.s32 $0x8F80;
	s18 =	simm.s32 $0x2;
	s19 =	simm.s32 $0x4  }
0x5: {  	s20 =	simm.s32 $0x3;
	s21 =	simm.s32 $0x6580;
	s5 =	sand.u32 $0x1, s0  }
0x6: {  	s0 =	stileid.u32;
	[smem:$0x7FF] =	sst s3;
	s1 =	sshll.u32 s5, $0x4  }
0x7: {  	s29 =	sshll.u32 s0, $0x7;
	s9 =	smul.u32 $0x28000, s5;
	s10 =	ssub.s32 $0x2, s5  }
0x8: {  	s12 =	smul.u32 $0x50000, s0;
	s5 =	sadd.s32 $0x44E00, s7;
	s23 =	sshll.u32 s0, $0x6  }
0x9: {  	s24 =	smul.u32 $0x2800, s0;
	s6 =	sor.u32 s0, s1;
	s8 =	sand.u32 $0x380, s29  }
0xa: {  	s30 =	sshrl.u32 s10, $0x1;
	s1 =	sshrl.u32 s6, $0x3;
	s6 =	sshll.u32 s6, $0xB  }
0xb: {  	s9 =	sadd.s32 s9, s7;
	s10 =	ssub.s32 s10, s30;
	s31 =	sshrl.u32 s12, $0x2  }
0xc: {  	s12 =	simm.s32 $0x2780;
	s4 =	smul.u32 $0x13C00, s1;
	s1 =	rddreg [dreg:$0x2]  }
0xd: {  	_ =	strace $0x80000047;
	s11 =	sadd.s32 s6, s7;
	s13 =	sadd.s32 s31, s2  }
0xe: {  	s22 =	sadd.s32 $0x47600, s9;
	s9 =	smax.u32 s10, $0x1;
	s10 =	simm.s32 $0x80  }
0xf: {  	s13 =	sshrl.u32 s13, $0x3;
	s22 =	sadd.s32 s24, s22;
	s4 =	sor.u32 s8, s4  }
0x10: {  	s24 =	simm.s32 $0x0;
	s8 =	sshrl.u32 s4, $0x3;
	s4 =	sadd.s32 $0x1CE00, s7  }
0x11: {  	s8 =	sadd.s32 s8, s7;
	s7 =	sadd.s32 $0x3000, s11;
	s11 =	simm.s32 $0x400  }
0x12: {  	s6 =	sadd.s32 $0x13000, s8;
	s8 =	sor.u32 $0x1C01, s23;
	s23 =	sor.u32 $0x1C04, s23  }
.LBB2_1:
0x13: {  	[tilespmem:s3], [sflag:$0x1] =	stream.strided.gather [hbm4b:s6+s10], $0x2780, s11, s10, $0x38;
	[tilespmem:$0x1F780] =	vst v63  }
0x14: {  	_ = 	snop  }
0x15: {  	[tilespmem:s12], [sflag:$0x1] =	stream.linear.gather [hbm4b:s7+s3], $0x3E80, $0x38;
	[tilespmem:$0x1F780] =	vst v63  }
0x16: {  	[spmem:s13], [sflag:s8] =	dma.local [hbm:s5], $0x2800  }
0x17: {  	_ =	swait.ge [sflag:s14], $0x2780  }
0x18: {  	[sflag:s14] =	ssyncset.done $0x0  }
0x19: {  	[sflag:s14] =	ssyncadd.s32 $0xFFFFD880  }
0x1a: {  	_ =	swait.ge [sflag:s14], $0x3E80  }
0x1b: {  	[sflag:s14] =	ssyncset.done $0x0  }
0x1c: {  	[sflag:s14] =	ssyncadd.s32 $0xFFFFC180  }
0x1d: {  	_ =	swait.ge [sflag:s14], $0x2800  }
0x1e: {  	[sflag:s14] =	ssyncset.done $0x0  }
0x1f: {  	[sflag:s14] =	ssyncadd.s32 $0xFFFFD800  }
0x20: {  	[bflag:$0x0] =	sbarrier.arrive $0xFFFF  }
0x21: {  	[tilespmem:s15], [sflag:$0x2] =	stream.indirect.gather [hbm4b:s4+s16], $0x80, s3, s16, $0xb8;
	[tilespmem:$0x1F780] =	vst v63  }
0x22: {  	_ = 	snop  }
0x23: {  	[tilespmem:s17], [sflag:$0x3] =	stream.indirect.gather [hbm4b:s4+s16], $0x80, s16, s16, $0xb8;
	[tilespmem:$0x1F780] =	vst v63  }
0x24: {  	_ =	swait.ge [sflag:s18], $0x2800  }
0x25: {  	[sflag:s18] =	ssyncset.done $0x0  }
0x26: {  	s25 =	simm.s32 $0x2780;
	[sflag:s18] =	ssyncadd.s32 $0xFFFFD800  }
0x27: {  	[spmem:s2] =	stream.indirect.scatter.add.f32 [tilespmem:s15], [sflag:$0x4], $0x80, s25, s16, $0xb8;
	[tilespmem:$0x1F780] =	vst v63  }
0x28: {  	_ =	swait.ge [sflag:s19], $0x2800  }
0x29: {  	[sflag:s19] =	ssyncset.done $0x0  }
0x2a: {  	s30 =	simm.s32 $0xA0;
	[sflag:s19] =	ssyncadd.s32 $0xFFFFD800  }
0x2b: {  	[tilespmem:s15], [sflag:$0x2] =	stream.indirect.gather [hbm4b:s4+s16], $0x80, s30, s16, $0xb8;
	[tilespmem:$0x1F780] =	vst v63  }
0x2c: {  	_ =	swait.ge [sflag:s20], $0x2800  }
0x2d: {  	[sflag:s20] =	ssyncset.done $0x0  }
0x2e: {  	s31 =	simm.s32 $0x2800;
	[sflag:s20] =	ssyncadd.s32 $0xFFFFD800  }
0x2f: {  	[spmem:s2] =	stream.indirect.scatter.add.f32 [tilespmem:s17], [sflag:$0x4], $0x80, s31, s16, $0xb8;
	[tilespmem:$0x1F780] =	vst v63  }
0x30: {  	_ =	swait.ge [sflag:s19], $0x2800  }
0x31: {  	s26 =	simm.s32 $0x50;
	s25 =	simm.s32 $0x400;
	[sflag:s19] =	ssyncset.done $0x0  }
.LBB2_2:
0x32: {  	p0 =	sne.s32 s25, $0xF400;
	[sflag:s19] =	ssyncadd.s32 $0xFFFFD800;
	s26 =	sadd.s32 $0xA0, s26  }
0x33: {  	[tilespmem:s17], [sflag:$0x3] =	stream.indirect.gather [hbm4b:s4+s16], $0x80, s26, s16, $0xb8;
	[tilespmem:$0x1F780] =	vst v63  }
0x34: {  	s28 =	smov.u32 s25;
	s25 =	sadd.s32 $0x400, s25;
	_ =	swait.ge [sflag:s18], $0x2800  }
0x35: {  	s28 =	sshra.s32 s28, $0x2;
	[sflag:s18] =	ssyncset.done $0x0  }
0x36: {  	s29 =	sadd.s32 $0x2780, s28;
	[sflag:s18] =	ssyncadd.s32 $0xFFFFD800  }
0x37: {  	[spmem:s2] =	stream.indirect.scatter.add.f32 [tilespmem:s15], [sflag:$0x4], $0x80, s29, s16, $0xb8;
	[tilespmem:$0x1F780] =	vst v63  }
0x38: {  	_ =	swait.ge [sflag:s19], $0x2800  }
0x39: {  	[sflag:s19] =	ssyncset.done $0x0  }
0x3a: {  	s29 =	sadd.s32 $0x50, s26;
	[sflag:s19] =	ssyncadd.s32 $0xFFFFD800  }
0x3b: {  	[tilespmem:s15], [sflag:$0x2] =	stream.indirect.gather [hbm4b:s4+s16], $0x80, s29, s16, $0xb8;
	[tilespmem:$0x1F780] =	vst v63  }
0x3c: {  	_ =	swait.ge [sflag:s20], $0x2800  }
.Ltmp0:
0x3d: {  	[sflag:s20] =	ssyncset.done $0x0;
	(pc) =	sbr.rel @p0 .LBB2_2-.Ltmp0, $4  }
0x3e: {  	s28 =	sadd.s32 $0x2800, s28;
	[sflag:s20] =	ssyncadd.s32 $0xFFFFD800  }
0x3f: {  	[spmem:s2] =	stream.indirect.scatter.add.f32 [tilespmem:s17], [sflag:$0x4], $0x80, s28, s16, $0xb8;
	[tilespmem:$0x1F780] =	vst v63  }
0x40: {  	_ =	swait.ge [sflag:s19], $0x2800  }
0x41: {  	[sflag:s19] =	ssyncset.done $0x0  }
0x42: {  	[sflag:s19] =	ssyncadd.s32 $0xFFFFD800  }
0x43: {  	_ =	swait.ge [sflag:s18], $0x2800  }
0x44: {  	[sflag:s18] =	ssyncset.done $0x0  }
0x45: {  	[sflag:s18] =	ssyncadd.s32 $0xFFFFD800  }
0x46: {  	[spmem:s2] =	stream.indirect.scatter.add.f32 [tilespmem:s15], [sflag:$0x4], $0x80, s21, s16, $0xb8;
	[tilespmem:$0x1F780] =	vst v63  }
0x47: {  	_ =	swait.ge [sflag:s19], $0x2800  }
0x48: {  	s24 =	sadd.s32 $0x1, s24;
	[sflag:s19] =	ssyncset.done $0x0  }
0x49: {  	p0 =	sne.s32 s24, s9;
	[sflag:s19] =	ssyncadd.s32 $0xFFFFD800  }
.Ltmp1:
0x4a: {  	[bflag:$0x0] =	sbarrier.arrive $0xFFFF;
	(pc) =	sbr.rel @p0 .LBB2_1-.Ltmp1, $4  }
0x4b: {  	[hbm:s22], [sflag:s23] =	dma.local [spmem:s13], $0x2800  }
0x4c: {  	_ =	swait.ge [sflag:s19], $0x2800  }
0x4d: {  	[sflag:s19] =	ssyncset.done $0x0  }
0x4e: {  	[sflag:s19] =	ssyncadd.s32 $0xFFFFD800  }
0x4f: {  	_ =	sfence.sel $0x180000  }
0x50: {  	[bflag:$0x0] =	sbarrier.arrive $0xFFFF  }
0x51: {  	p0 =	sne.s32 s0, $0x0;
	_ =	strace $0x90000047  }
0x52: {  	s0 =	sadd.s32 @!p0 $0x100000, s1;
	[bflag:$0x2] =	sbarrier.arrive $0xFFFF  }
0x53: {  	[sflag:s0] =	ssyncadd.tile.s32 @!p0 $0x1;
	_ =	shalt  }
.Lfunc_end2:
_tile_overlayer_lowered:
.L_overlay_start_2:
0x54: {  	(tag) =	ssettag $0x2  }
0x55: {  	s0 =	rddreg [dreg:$0x0];
	s2 =	stileid.u32  }
0x56: {  	s1 =	rddreg [dreg:$0x1];
	p0 =	sne.s32 s2, $0x0  }
0x57: {  	s3 =	rddreg [dreg:$0x2];
	[bflag:$0x3] =	sbarrier.arrive $0xFFFF;
	s2 =	simm.s32 @!p0 $0x1C04  }
0x58: {  	[timem:s3], [sflag:s2] =	dma.local @!p0 [hbm:s0], s1  }
0x59: {  	s0 =	simm.s32 @!p0 $0x4  }
0x5a: {  	_ =	swait.ge @!p0 [sflag:s0], s1  }
0x5b: {  	s1 =	ssub.s32 @!p0 $0x0, s1;
	[sflag:s0] =	ssyncset.done @!p0 $0x0  }
0x5c: {  	[sflag:s0] =	ssyncadd.s32 @!p0 s1  }
0x5d: {  	[bflag:$0x3] =	sbarrier.arrive $0xFFFF  }
0x5e: {  	_ =	shalt  }

// kernel: kernel.15.cloned.1.call-start
scs
__scs_entry_jumppad:
0x0: {  	(pc) =	sbr.rel $0x88, $3  }
0x1: {  	(tag) =	ssettag $0x0;
	lr =	simm.s32 $0x1  }
0x2: {  	[smem:$0x3F9A] =	sst lr;
	_ =	strace $0xD0000000  }
0x3: {  	_ = 	snop  }
0x4: {  	_ = 	snop  }
0x5: {  	_ = 	snop  }
0x6: {  	_ = 	snop  }
0x7: {  	_ = 	snop  }
__scs_overlays_trampoline_lowered:
0x8: {  	[smem:$0x3FA9] =	sst s0  }
0x9: {  	[smem:$0x3FAA] =	sst s1  }
0xa: {  	[smem:$0x3FAB] =	sst s2  }
0xb: {  	[smem:$0x3FAC] =	sst s3  }
0xc: {  	[smem:$0x3FAD] =	sst s4  }
0xd: {  	[smem:$0x3FAE] =	sst s5  }
0xe: {  	[smem:$0x3FAF] =	sst s6  }
0xf: {  	[smem:$0x3FB0] =	sst s7  }
0x10: {  	[smem:$0x3FB1] =	sst s8  }
0x11: {  	[smem:$0x3FB2] =	sst s9;
	s0 =	simm.s32 @!p0 $0x0  }
0x12: {  	s1 =	sld [smem:$0x3F98];
	s0 =	simm.s32 @p0 $0x1  }
0x13: {  	[smem:$0x3FB3] =	sst s0;
	s0 =	simm.s32 @!p1 $0x0  }
0x14: {  	s2 =	sld [smem:$0x3F97];
	s0 =	simm.s32 @p1 $0x1  }
0x15: {  	[smem:$0x3FB4] =	sst s0;
	s0 =	simm.s32 @!p2 $0x0  }
0x16: {  	s3 =	sld [smem:$0x3FDB];
	s0 =	simm.s32 @p2 $0x1  }
0x17: {  	s4 =	simm.s32 $0x1BF5;
	[smem:$0x3FB6] =	sst s0  }
0x18: {  	s0 =	sld [smem:$0x3F99];
	_ =	swait.ge [sflag:s4], $0x0  }
0x19: {  	s7 =	sld [smem:$0x3F9A]  }
0x1a: {  	s8 =	sadd.s32 $0xFFFFE003, lr  }
0x1b: {  	s9 =	sadd.s32 $0xFFFFFEF7, lr;
	s5 =	simm.s32 $0xFFFFFFFF;
	p2 =	slt.u32 s8, $0xFFFFF086  }
0x1c: {  	p1 =	slt.u32 s9, $0xF7A;
	s5 =	simm.s32 @!p2 $0x0  }
0x1d: {  	s5 =	simm.s32 @p1 $0x1;
	p0 =	seq.s32 s7, s2  }
0x1e: {  	s7 =	smul.u32 @!p0 $0xF7A, s2;
	p2 =	seq.s32 @!p0 s5, $0x0  }
0x1f: {  	s9 =	smul.u32 $0xF7A, s1;
	s8 =	simm.s32 @!p0 $0x1BF5;
	p2 =	por !p2, p0  }
0x20: {  	[sflag:s8] =	ssyncset.s32 @!p0 $0xFFFFF086;
	s6 =	sadd.s32 @!p0 s3, s7;
	s7 =	simm.s32 @!p0 $0x108  }
0x21: {  	s3 =	sadd.s32 s3, s9;
	s6 =	sadd.s32 @!p0 $0x88, s6;
	s7 =	simm.s32 @p2 $0x1082  }
0x22: {  	[simem:s7], [sflag:s8] =	dma.local @!p0 [hbm:s6], $0xF7A  }
0x23: {  	s9 =	sor.u32 $0xD0000000, s2;
	s6 =	simm.s32 $0x108;
	_ =	swait.ge @!p0 [sflag:s8], $0x0  }
0x24: {  	s3 =	sadd.s32 $0x88, s3;
	s6 =	simm.s32 @!p1 $0x1082;
	[sflag:s4] =	ssyncset.s32 $0xFFFFF086  }
0x25: {  	[simem:s6], [sflag:s4] =	dma.local [hbm:s3], $0xF7A  }
0x26: {  	[smem:$0x3F9A] =	sst s1;
	(tag) =	ssettag s2;
	_ =	strace s9  }
0x27: {  	s1 =	sld [smem:$0x3FAA]  }
0x28: {  	s2 =	sld [smem:$0x3FAB]  }
0x29: {  	s4 =	sld [smem:$0x3FAD]  }
0x2a: {  	p0 =	seq.s32 s5, $0x0;
	s5 =	sld [smem:$0x3FAE]  }
0x2b: {  	s6 =	sld [smem:$0x3FAF]  }
0x2c: {  	s7 =	sld [smem:$0x3FB0]  }
0x2d: {  	s3 =	simm.s32 $0x108;
	s8 =	sld [smem:$0x3FB1]  }
0x2e: {  	s3 =	simm.s32 @!p0 $0x1082;
	s9 =	sld [smem:$0x3FB2]  }
0x2f: {  	lr =	sadd.s32 s0, s3;
	s0 =	sld [smem:$0x3FA9]  }
0x30: {  	s3 =	sld [smem:$0x3FAC]  }
0x31: {  	[smem:$0x3FB5] =	sst s10  }
0x32: {  	s10 =	sld [smem:$0x3FB3];
	_ =	sdelay $0x3  }
0x33: {  	p0 =	seq.s32 s10, $0x1;
	s10 =	sld [smem:$0x3FB5];
	_ =	sdelay $0x3  }
0x34: {  	[smem:$0x3FB5] =	sst s10  }
0x35: {  	s10 =	sld [smem:$0x3FB4];
	_ =	sdelay $0x3  }
0x36: {  	p1 =	seq.s32 s10, $0x1;
	s10 =	sld [smem:$0x3FB5];
	_ =	sdelay $0x3  }
0x37: {  	[smem:$0x3FB5] =	sst s10  }
0x38: {  	s10 =	sld [smem:$0x3FB6]  }
0x39: {  	_ = 	snop;
	(pc) =	sbr.ind lr, $3  }
0x3a: {  	_ = 	snop  }
0x3b: {  	_ = 	snop  }
0x3c: {  	p2 =	seq.s32 s10, $0x1;
	s10 =	sld [smem:$0x3FB5]  }
0x3d: {  	_ =	shalt  }
0x3e: {  	_ =	shalt  }
0x3f: {  	_ =	shalt  }
0x40: {  	_ =	shalt  }
0x41: {  	_ =	shalt  }
0x42: {  	_ =	shalt  }
0x43: {  	_ =	shalt  }
0x44: {  	_ =	shalt  }
0x45: {  	_ =	shalt  }
0x46: {  	_ =	shalt  }
0x47: {  	_ =	shalt  }
0x48: {  	_ =	shalt  }
0x49: {  	_ =	shalt  }
0x4a: {  	_ =	shalt  }
0x4b: {  	_ =	shalt  }
0x4c: {  	_ =	shalt  }
0x4d: {  	_ =	shalt  }
0x4e: {  	_ =	shalt  }
0x4f: {  	_ =	shalt  }
0x50: {  	_ =	shalt  }
0x51: {  	_ =	shalt  }
0x52: {  	_ =	shalt  }
0x53: {  	_ =	shalt  }
0x54: {  	_ =	shalt  }
0x55: {  	_ =	shalt  }
0x56: {  	_ =	shalt  }
0x57: {  	_ =	shalt  }
0x58: {  	_ =	shalt  }
0x59: {  	_ =	shalt  }
0x5a: {  	_ =	shalt  }
0x5b: {  	_ =	shalt  }
0x5c: {  	_ =	shalt  }
0x5d: {  	_ =	shalt  }
0x5e: {  	_ =	shalt  }
0x5f: {  	_ =	shalt  }
0x60: {  	_ =	shalt  }
0x61: {  	_ =	shalt  }
0x62: {  	_ =	shalt  }
0x63: {  	_ =	shalt  }
0x64: {  	_ =	shalt  }
0x65: {  	_ =	shalt  }
0x66: {  	_ =	shalt  }
0x67: {  	_ =	shalt  }
0x68: {  	_ =	shalt  }
0x69: {  	_ =	shalt  }
0x6a: {  	_ =	shalt  }
0x6b: {  	_ =	shalt  }
0x6c: {  	_ =	shalt  }
0x6d: {  	_ =	shalt  }
0x6e: {  	_ =	shalt  }
0x6f: {  	_ =	shalt  }
0x70: {  	_ =	shalt  }
0x71: {  	_ =	shalt  }
0x72: {  	_ =	shalt  }
0x73: {  	_ =	shalt  }
0x74: {  	_ =	shalt  }
0x75: {  	_ =	shalt  }
0x76: {  	_ =	shalt  }
0x77: {  	_ =	shalt  }
0x78: {  	_ =	shalt  }
0x79: {  	_ =	shalt  }
0x7a: {  	_ =	shalt  }
0x7b: {  	_ =	shalt  }
0x7c: {  	_ =	shalt  }
0x7d: {  	_ =	shalt  }
0x7e: {  	_ =	shalt  }
0x7f: {  	_ =	shalt  }
0x80: {  	_ =	shalt  }
0x81: {  	_ =	shalt  }
0x82: {  	_ =	shalt  }
0x83: {  	_ =	shalt  }
0x84: {  	_ =	shalt  }
0x85: {  	_ =	shalt  }
0x86: {  	_ =	shalt  }
0x87: {  	_ =	shalt  }
.Lfunc_end0:
.L_simem_size_0:
called_computation.1_lowered:
.L_overlay_start_0:
0x88: {  	s2 =	sld [smem:$0x3FD9]  }
0x89: {  	s3 =	sld [smem:$0x3FFE];
	_ =	sdelay $0x1  }
0x8a: {  	s1 =	srdreg.scid  }
0x8b: {  	s0 =	sand.u32 $0x1, s1  }
0x8c: {  	s16 =	sshll.u32 s0, $0xA;
	s2 =	sadd.s32 s3, s2  }
0x8d: {  	s2 =	sadd.s32 s2, s16  }
0x8e: {  	[smem:$0x3FC1] =	sst s2  }
0x8f: {  	_ = 	snop  }
0x90: {  	(tm) =	ssettm $0x1  }
0x91: {  	s17 =	sld [smem:$0x3FFB];
	_ =	sdelay $0x3  }
0x92: {  	_ =	strace s17  }
0x93: {  	s2 =	sld [smem:$0x3FFC];
	_ =	sdelay $0x3  }
0x94: {  	_ =	strace s2  }
0x95: {  	s2 =	sld [smem:$0x3FFD];
	_ =	sdelay $0x3  }
0x96: {  	_ =	strace s2  }
0x97: {  	_ =	strace $0x8FFFFFFF  }
0x98: {  	s18 =	sld [smem:$0x3FDB];
	_ =	sdelay $0x1  }
0x99: {  	s19 =	simm.s32 $_scs_section_size  }
0x9a: {  	s4 =	simm.s32 $_size__tile_overlayer_lowered;
	s5 =	simm.s32 $_tile_overlayer_lowered  }
0x9b: {  	s22 =	simm.s32 $0x1BFF;
	s21 =	sshll.u32 s5, $0x1;
	s2 =	sadd.s32 s19, s18  }
0x9c: {  	s6 =	simm.s32 $0x0;
	s20 =	sshll.u32 s4, $0x1;
	s4 =	sadd.s32 s21, s2  }
0x9d: {  	[timem:s6], [sflag:s22] =	dma.local [hbm:s4], s20  }
0x9e: {  	_ =	swait.ge [sflag:s22], s20  }
0x9f: {  	s3 =	ssub.s32 $0x0, s20;
	[sflag:s22] =	ssyncset.done $0x0  }
0xa0: {  	[sflag:s22] =	ssyncadd.s32 s3;
	_ =	sdelay $0x1  }
0xa1: {  	s23 =	simm.s32 $0x1B8B  }
0xa2: {  	_ =	swait.ge [sflag:s23], $0x1  }
0xa3: {  	[sflag:s23] =	ssyncset.done $0x0  }
0xa4: {  	s25 =	simm.s32 $0x1B8E;
	s24 =	sld [smem:$0x3FFE];
	[sflag:s23] =	ssyncadd.s32 $0xFFFFFFFF  }
0xa5: {  	s26 =	simm.s32 $execute0_lowered;
	[smem:$0x3FD2] =	sst s25  }
0xa6: {  	s4 =	sshll.u32 s26, $0x1;
	_ =	strace $0x80000049;
	[dreg:$0x1] =	wrdreg $0xFFFFFFFF  }
0xa7: {  	s28 =	simm.s32 $_size_execute0_lowered;
	s2 =	sadd.s32 s2, s4;
	[dreg:$0x0] =	wrdreg $0x0  }
0xa8: {  	s4 =	sshll.u32 s28, $0x1;
	[dreg:$0x2] =	wrdreg s2  }
0xa9: {  	[dreg:$0x3] =	wrdreg s4  }
0xaa: {  	[dreg:$0x4] =	wrdreg $0xC0  }
0xab: {  	_ =	task [dreg:s6], $0x5FFFF  }
0xac: {  	[dreg:$0x1] =	wrdreg $0xFFFFFFFF  }
0xad: {  	[dreg:$0x0] =	wrdreg $0x60  }
0xae: {  	[dreg:$0x2] =	wrdreg s24  }
0xaf: {  	[dreg:$0x3] =	wrdreg $0xB7800  }
0xb0: {  	[dreg:$0x4] =	wrdreg $0x9  }
0xb1: {  	_ =	task.clear_ibuf [dreg:s6], $0x5FFFF;
	_ =	strace $0x90000049  }
0xb2: {  	s29 =	simm.s32 $0x9;
	_ =	strace $0x8000004B  }
0xb3: {  	_ =	swait.ge [sflag:s29], $0x1  }
0xb4: {  	[sflag:s29] =	ssyncadd.s32 $0xFFFFFFFF  }
0xb5: {  	_ =	strace $0x9000004B  }
0xb6: {  	_ =	sfence  }
0xb7: {  	s30 =	sld [smem:$0x0];
	_ =	sdelay $0x2  }
0xb8: {  	s31 =	sshll.u32 s1, $0xD;
	s1 =	sshrl.u32 s1, $0x2  }
0xb9: {  	s3 =	sand.u32 $0x4000, s31;
	s1 =	sadd.s32 s1, s30  }
0xba: {  	s0 =	sor.u32 s3, s0;
	s1 =	sshll.u32 s1, $0x11  }
0xbb: {  	s0 =	sor.u32 s1, s0  }
0xbc: {  	s0 =	sadd.s32 $0x8F2B, s0  }
0xbd: {  	[sflag:s0] =	ssyncadd.remote.s32 $0x1  }
0xbe: {  	_ =	sfence.sel $0xFFFF  }
0xbf: {  	[dreg:$0x0] =	wrdreg $0xFFFFFFFF;
	(pc) =	sbr.abs _section_cstart, $3  }
0xc0: {  	[dreg:$0x1] =	wrdreg $0xFFFFFFFF  }
0xc1: {  	_ =	task.clear_ibuf [dreg:s6], $0x2FFFF;
	_ =	strace $0x9FFFFFFF  }
0xc2: {  	(tm) =	ssettm $0x7FFFFFFF  }
0xc3: {  	_ =	shalt  }
tec
execute0_lowered:
.L_overlay_start_1:
0x0: {  	(tag) =	ssettag $0x1  }
0x1: {  	s7 =	rddreg [dreg:$0x0]  }
0x2: {  	s0 =	srdreg.scid;
	s2 =	rddreg [dreg:$0x1];
	s3 =	simm.s32 $0x0  }
0x3: {  	s14 =	simm.s32 $0x1;
	s15 =	simm.s32 $0x6780;
	s16 =	simm.s32 $0x50  }
0x4: {  	s17 =	simm.s32 $0x8F80;
	s18 =	simm.s32 $0x2;
	s19 =	simm.s32 $0x4  }
0x5: {  	s20 =	simm.s32 $0x3;
	s21 =	simm.s32 $0x6580;
	s5 =	sand.u32 $0x1, s0  }
0x6: {  	s0 =	stileid.u32;
	[smem:$0x7FF] =	sst s3;
	s1 =	sshll.u32 s5, $0x4  }
0x7: {  	s29 =	sshll.u32 s0, $0x7;
	s9 =	smul.u32 $0x28000, s5;
	s10 =	ssub.s32 $0x2, s5  }
0x8: {  	s12 =	smul.u32 $0x50000, s0;
	s5 =	sadd.s32 $0x44E00, s7;
	s23 =	sshll.u32 s0, $0x6  }
0x9: {  	s24 =	smul.u32 $0x2800, s0;
	s6 =	sor.u32 s0, s1;
	s8 =	sand.u32 $0x380, s29  }
0xa: {  	s30 =	sshrl.u32 s10, $0x1;
	s1 =	sshrl.u32 s6, $0x3;
	s6 =	sshll.u32 s6, $0xB  }
0xb: {  	s9 =	sadd.s32 s9, s7;
	s10 =	ssub.s32 s10, s30;
	s31 =	sshrl.u32 s12, $0x2  }
0xc: {  	s12 =	simm.s32 $0x2780;
	s4 =	smul.u32 $0x13C00, s1;
	s1 =	rddreg [dreg:$0x2]  }
0xd: {  	_ =	strace $0x8000004A;
	s11 =	sadd.s32 s6, s7;
	s13 =	sadd.s32 s31, s2  }
0xe: {  	s22 =	sadd.s32 $0x47600, s9;
	s9 =	smax.u32 s10, $0x1;
	s10 =	simm.s32 $0x80  }
0xf: {  	s13 =	sshrl.u32 s13, $0x3;
	s22 =	sadd.s32 s24, s22;
	s4 =	sor.u32 s8, s4  }
0x10: {  	s24 =	simm.s32 $0x0;
	s8 =	sshrl.u32 s4, $0x3;
	s4 =	sadd.s32 $0x1CE00, s7  }
0x11: {  	s8 =	sadd.s32 s8, s7;
	s7 =	sadd.s32 $0x3000, s11;
	s11 =	simm.s32 $0x400  }
0x12: {  	s6 =	sadd.s32 $0x13000, s8;
	s8 =	sor.u32 $0x1C01, s23;
	s23 =	sor.u32 $0x1C04, s23  }
.LBB2_1:
0x13: {  	[tilespmem:s3], [sflag:$0x1] =	stream.strided.gather [hbm4b:s6+s10], $0x2780, s11, s10, $0x38;
	[tilespmem:$0x1F780] =	vst v63  }
0x14: {  	_ = 	snop  }
0x15: {  	[tilespmem:s12], [sflag:$0x1] =	stream.linear.gather [hbm4b:s7+s3], $0x3E80, $0x38;
	[tilespmem:$0x1F780] =	vst v63  }
0x16: {  	[spmem:s13], [sflag:s8] =	dma.local [hbm:s5], $0x2800  }
0x17: {  	_ =	swait.ge [sflag:s14], $0x2780  }
0x18: {  	[sflag:s14] =	ssyncset.done $0x0  }
0x19: {  	[sflag:s14] =	ssyncadd.s32 $0xFFFFD880  }
0x1a: {  	_ =	swait.ge [sflag:s14], $0x3E80  }
0x1b: {  	[sflag:s14] =	ssyncset.done $0x0  }
0x1c: {  	[sflag:s14] =	ssyncadd.s32 $0xFFFFC180  }
0x1d: {  	_ =	swait.ge [sflag:s14], $0x2800  }
0x1e: {  	[sflag:s14] =	ssyncset.done $0x0  }
0x1f: {  	[sflag:s14] =	ssyncadd.s32 $0xFFFFD800  }
0x20: {  	[bflag:$0x0] =	sbarrier.arrive $0xFFFF  }
0x21: {  	[tilespmem:s15], [sflag:$0x2] =	stream.indirect.gather [hbm4b:s4+s16], $0x80, s3, s16, $0xb8;
	[tilespmem:$0x1F780] =	vst v63  }
0x22: {  	_ = 	snop  }
0x23: {  	[tilespmem:s17], [sflag:$0x3] =	stream.indirect.gather [hbm4b:s4+s16], $0x80, s16, s16, $0xb8;
	[tilespmem:$0x1F780] =	vst v63  }
0x24: {  	_ =	swait.ge [sflag:s18], $0x2800  }
0x25: {  	[sflag:s18] =	ssyncset.done $0x0  }
0x26: {  	s25 =	simm.s32 $0x2780;
	[sflag:s18] =	ssyncadd.s32 $0xFFFFD800  }
0x27: {  	[spmem:s2] =	stream.indirect.scatter.add.f32 [tilespmem:s15], [sflag:$0x4], $0x80, s25, s16, $0xb8;
	[tilespmem:$0x1F780] =	vst v63  }
0x28: {  	_ =	swait.ge [sflag:s19], $0x2800  }
0x29: {  	[sflag:s19] =	ssyncset.done $0x0  }
0x2a: {  	s30 =	simm.s32 $0xA0;
	[sflag:s19] =	ssyncadd.s32 $0xFFFFD800  }
0x2b: {  	[tilespmem:s15], [sflag:$0x2] =	stream.indirect.gather [hbm4b:s4+s16], $0x80, s30, s16, $0xb8;
	[tilespmem:$0x1F780] =	vst v63  }
0x2c: {  	_ =	swait.ge [sflag:s20], $0x2800  }
0x2d: {  	[sflag:s20] =	ssyncset.done $0x0  }
0x2e: {  	s31 =	simm.s32 $0x2800;
	[sflag:s20] =	ssyncadd.s32 $0xFFFFD800  }
0x2f: {  	[spmem:s2] =	stream.indirect.scatter.add.f32 [tilespmem:s17], [sflag:$0x4], $0x80, s31, s16, $0xb8;
	[tilespmem:$0x1F780] =	vst v63  }
0x30: {  	_ =	swait.ge [sflag:s19], $0x2800  }
0x31: {  	s26 =	simm.s32 $0x50;
	s25 =	simm.s32 $0x400;
	[sflag:s19] =	ssyncset.done $0x0  }
.LBB2_2:
0x32: {  	p0 =	sne.s32 s25, $0xF400;
	[sflag:s19] =	ssyncadd.s32 $0xFFFFD800;
	s26 =	sadd.s32 $0xA0, s26  }
0x33: {  	[tilespmem:s17], [sflag:$0x3] =	stream.indirect.gather [hbm4b:s4+s16], $0x80, s26, s16, $0xb8;
	[tilespmem:$0x1F780] =	vst v63  }
0x34: {  	s28 =	smov.u32 s25;
	s25 =	sadd.s32 $0x400, s25;
	_ =	swait.ge [sflag:s18], $0x2800  }
0x35: {  	s28 =	sshra.s32 s28, $0x2;
	[sflag:s18] =	ssyncset.done $0x0  }
0x36: {  	s29 =	sadd.s32 $0x2780, s28;
	[sflag:s18] =	ssyncadd.s32 $0xFFFFD800  }
0x37: {  	[spmem:s2] =	stream.indirect.scatter.add.f32 [tilespmem:s15], [sflag:$0x4], $0x80, s29, s16, $0xb8;
	[tilespmem:$0x1F780] =	vst v63  }
0x38: {  	_ =	swait.ge [sflag:s19], $0x2800  }
0x39: {  	[sflag:s19] =	ssyncset.done $0x0  }
0x3a: {  	s29 =	sadd.s32 $0x50, s26;
	[sflag:s19] =	ssyncadd.s32 $0xFFFFD800  }
0x3b: {  	[tilespmem:s15], [sflag:$0x2] =	stream.indirect.gather [hbm4b:s4+s16], $0x80, s29, s16, $0xb8;
	[tilespmem:$0x1F780] =	vst v63  }
0x3c: {  	_ =	swait.ge [sflag:s20], $0x2800  }
.Ltmp0:
0x3d: {  	[sflag:s20] =	ssyncset.done $0x0;
	(pc) =	sbr.rel @p0 .LBB2_2-.Ltmp0, $4  }
0x3e: {  	s28 =	sadd.s32 $0x2800, s28;
	[sflag:s20] =	ssyncadd.s32 $0xFFFFD800  }
0x3f: {  	[spmem:s2] =	stream.indirect.scatter.add.f32 [tilespmem:s17], [sflag:$0x4], $0x80, s28, s16, $0xb8;
	[tilespmem:$0x1F780] =	vst v63  }
0x40: {  	_ =	swait.ge [sflag:s19], $0x2800  }
0x41: {  	[sflag:s19] =	ssyncset.done $0x0  }
0x42: {  	[sflag:s19] =	ssyncadd.s32 $0xFFFFD800  }
0x43: {  	_ =	swait.ge [sflag:s18], $0x2800  }
0x44: {  	[sflag:s18] =	ssyncset.done $0x0  }
0x45: {  	[sflag:s18] =	ssyncadd.s32 $0xFFFFD800  }
0x46: {  	[spmem:s2] =	stream.indirect.scatter.add.f32 [tilespmem:s15], [sflag:$0x4], $0x80, s21, s16, $0xb8;
	[tilespmem:$0x1F780] =	vst v63  }
0x47: {  	_ =	swait.ge [sflag:s19], $0x2800  }
0x48: {  	s24 =	sadd.s32 $0x1, s24;
	[sflag:s19] =	ssyncset.done $0x0  }
0x49: {  	p0 =	sne.s32 s24, s9;
	[sflag:s19] =	ssyncadd.s32 $0xFFFFD800  }
.Ltmp1:
0x4a: {  	[bflag:$0x0] =	sbarrier.arrive $0xFFFF;
	(pc) =	sbr.rel @p0 .LBB2_1-.Ltmp1, $4  }
0x4b: {  	[hbm:s22], [sflag:s23] =	dma.local [spmem:s13], $0x2800  }
0x4c: {  	_ =	swait.ge [sflag:s19], $0x2800  }
0x4d: {  	[sflag:s19] =	ssyncset.done $0x0  }
0x4e: {  	[sflag:s19] =	ssyncadd.s32 $0xFFFFD800  }
0x4f: {  	_ =	sfence.sel $0x180000  }
0x50: {  	[bflag:$0x0] =	sbarrier.arrive $0xFFFF  }
0x51: {  	p0 =	sne.s32 s0, $0x0;
	_ =	strace $0x9000004A  }
0x52: {  	s0 =	sadd.s32 @!p0 $0x100000, s1;
	[bflag:$0x2] =	sbarrier.arrive $0xFFFF  }
0x53: {  	[sflag:s0] =	ssyncadd.tile.s32 @!p0 $0x1;
	_ =	shalt  }
.Lfunc_end2:
_tile_overlayer_lowered:
.L_overlay_start_2:
0x54: {  	(tag) =	ssettag $0x2  }
0x55: {  	s0 =	rddreg [dreg:$0x0];
	s2 =	stileid.u32  }
0x56: {  	s1 =	rddreg [dreg:$0x1];
	p0 =	sne.s32 s2, $0x0  }
0x57: {  	s3 =	rddreg [dreg:$0x2];
	[bflag:$0x3] =	sbarrier.arrive $0xFFFF;
	s2 =	simm.s32 @!p0 $0x1C04  }
0x58: {  	[timem:s3], [sflag:s2] =	dma.local @!p0 [hbm:s0], s1  }
0x59: {  	s0 =	simm.s32 @!p0 $0x4  }
0x5a: {  	_ =	swait.ge @!p0 [sflag:s0], s1  }
0x5b: {  	s1 =	ssub.s32 @!p0 $0x0, s1;
	[sflag:s0] =	ssyncset.done @!p0 $0x0  }
0x5c: {  	[sflag:s0] =	ssyncadd.s32 @!p0 s1  }
0x5d: {  	[bflag:$0x3] =	sbarrier.arrive $0xFFFF  }
0x5e: {  	_ =	shalt  }

// kernel: kernel.18.cloned.1.call-start
scs
__scs_entry_jumppad:
0x0: {  	(pc) =	sbr.rel $0x88, $3  }
0x1: {  	(tag) =	ssettag $0x0;
	lr =	simm.s32 $0x1  }
0x2: {  	[smem:$0x3F9A] =	sst lr;
	_ =	strace $0xD0000000  }
0x3: {  	_ = 	snop  }
0x4: {  	_ = 	snop  }
0x5: {  	_ = 	snop  }
0x6: {  	_ = 	snop  }
0x7: {  	_ = 	snop  }
__scs_overlays_trampoline_lowered:
0x8: {  	[smem:$0x3FA9] =	sst s0  }
0x9: {  	[smem:$0x3FAA] =	sst s1  }
0xa: {  	[smem:$0x3FAB] =	sst s2  }
0xb: {  	[smem:$0x3FAC] =	sst s3  }
0xc: {  	[smem:$0x3FAD] =	sst s4  }
0xd: {  	[smem:$0x3FAE] =	sst s5  }
0xe: {  	[smem:$0x3FAF] =	sst s6  }
0xf: {  	[smem:$0x3FB0] =	sst s7  }
0x10: {  	[smem:$0x3FB1] =	sst s8  }
0x11: {  	[smem:$0x3FB2] =	sst s9;
	s0 =	simm.s32 @!p0 $0x0  }
0x12: {  	s1 =	sld [smem:$0x3F98];
	s0 =	simm.s32 @p0 $0x1  }
0x13: {  	[smem:$0x3FB3] =	sst s0;
	s0 =	simm.s32 @!p1 $0x0  }
0x14: {  	s2 =	sld [smem:$0x3F97];
	s0 =	simm.s32 @p1 $0x1  }
0x15: {  	[smem:$0x3FB4] =	sst s0;
	s0 =	simm.s32 @!p2 $0x0  }
0x16: {  	s3 =	sld [smem:$0x3FDB];
	s0 =	simm.s32 @p2 $0x1  }
0x17: {  	s4 =	simm.s32 $0x1BF5;
	[smem:$0x3FB6] =	sst s0  }
0x18: {  	s0 =	sld [smem:$0x3F99];
	_ =	swait.ge [sflag:s4], $0x0  }
0x19: {  	s7 =	sld [smem:$0x3F9A]  }
0x1a: {  	s8 =	sadd.s32 $0xFFFFE003, lr  }
0x1b: {  	s9 =	sadd.s32 $0xFFFFFEF7, lr;
	s5 =	simm.s32 $0xFFFFFFFF;
	p2 =	slt.u32 s8, $0xFFFFF086  }
0x1c: {  	p1 =	slt.u32 s9, $0xF7A;
	s5 =	simm.s32 @!p2 $0x0  }
0x1d: {  	s5 =	simm.s32 @p1 $0x1;
	p0 =	seq.s32 s7, s2  }
0x1e: {  	s7 =	smul.u32 @!p0 $0xF7A, s2;
	p2 =	seq.s32 @!p0 s5, $0x0  }
0x1f: {  	s9 =	smul.u32 $0xF7A, s1;
	s8 =	simm.s32 @!p0 $0x1BF5;
	p2 =	por !p2, p0  }
0x20: {  	[sflag:s8] =	ssyncset.s32 @!p0 $0xFFFFF086;
	s6 =	sadd.s32 @!p0 s3, s7;
	s7 =	simm.s32 @!p0 $0x108  }
0x21: {  	s3 =	sadd.s32 s3, s9;
	s6 =	sadd.s32 @!p0 $0x88, s6;
	s7 =	simm.s32 @p2 $0x1082  }
0x22: {  	[simem:s7], [sflag:s8] =	dma.local @!p0 [hbm:s6], $0xF7A  }
0x23: {  	s9 =	sor.u32 $0xD0000000, s2;
	s6 =	simm.s32 $0x108;
	_ =	swait.ge @!p0 [sflag:s8], $0x0  }
0x24: {  	s3 =	sadd.s32 $0x88, s3;
	s6 =	simm.s32 @!p1 $0x1082;
	[sflag:s4] =	ssyncset.s32 $0xFFFFF086  }
0x25: {  	[simem:s6], [sflag:s4] =	dma.local [hbm:s3], $0xF7A  }
0x26: {  	[smem:$0x3F9A] =	sst s1;
	(tag) =	ssettag s2;
	_ =	strace s9  }
0x27: {  	s1 =	sld [smem:$0x3FAA]  }
0x28: {  	s2 =	sld [smem:$0x3FAB]  }
0x29: {  	s4 =	sld [smem:$0x3FAD]  }
0x2a: {  	p0 =	seq.s32 s5, $0x0;
	s5 =	sld [smem:$0x3FAE]  }
0x2b: {  	s6 =	sld [smem:$0x3FAF]  }
0x2c: {  	s7 =	sld [smem:$0x3FB0]  }
0x2d: {  	s3 =	simm.s32 $0x108;
	s8 =	sld [smem:$0x3FB1]  }
0x2e: {  	s3 =	simm.s32 @!p0 $0x1082;
	s9 =	sld [smem:$0x3FB2]  }
0x2f: {  	lr =	sadd.s32 s0, s3;
	s0 =	sld [smem:$0x3FA9]  }
0x30: {  	s3 =	sld [smem:$0x3FAC]  }
0x31: {  	[smem:$0x3FB5] =	sst s10  }
0x32: {  	s10 =	sld [smem:$0x3FB3];
	_ =	sdelay $0x3  }
0x33: {  	p0 =	seq.s32 s10, $0x1;
	s10 =	sld [smem:$0x3FB5];
	_ =	sdelay $0x3  }
0x34: {  	[smem:$0x3FB5] =	sst s10  }
0x35: {  	s10 =	sld [smem:$0x3FB4];
	_ =	sdelay $0x3  }
0x36: {  	p1 =	seq.s32 s10, $0x1;
	s10 =	sld [smem:$0x3FB5];
	_ =	sdelay $0x3  }
0x37: {  	[smem:$0x3FB5] =	sst s10  }
0x38: {  	s10 =	sld [smem:$0x3FB6]  }
0x39: {  	_ = 	snop;
	(pc) =	sbr.ind lr, $3  }
0x3a: {  	_ = 	snop  }
0x3b: {  	_ = 	snop  }
0x3c: {  	p2 =	seq.s32 s10, $0x1;
	s10 =	sld [smem:$0x3FB5]  }
0x3d: {  	_ =	shalt  }
0x3e: {  	_ =	shalt  }
0x3f: {  	_ =	shalt  }
0x40: {  	_ =	shalt  }
0x41: {  	_ =	shalt  }
0x42: {  	_ =	shalt  }
0x43: {  	_ =	shalt  }
0x44: {  	_ =	shalt  }
0x45: {  	_ =	shalt  }
0x46: {  	_ =	shalt  }
0x47: {  	_ =	shalt  }
0x48: {  	_ =	shalt  }
0x49: {  	_ =	shalt  }
0x4a: {  	_ =	shalt  }
0x4b: {  	_ =	shalt  }
0x4c: {  	_ =	shalt  }
0x4d: {  	_ =	shalt  }
0x4e: {  	_ =	shalt  }
0x4f: {  	_ =	shalt  }
0x50: {  	_ =	shalt  }
0x51: {  	_ =	shalt  }
0x52: {  	_ =	shalt  }
0x53: {  	_ =	shalt  }
0x54: {  	_ =	shalt  }
0x55: {  	_ =	shalt  }
0x56: {  	_ =	shalt  }
0x57: {  	_ =	shalt  }
0x58: {  	_ =	shalt  }
0x59: {  	_ =	shalt  }
0x5a: {  	_ =	shalt  }
0x5b: {  	_ =	shalt  }
0x5c: {  	_ =	shalt  }
0x5d: {  	_ =	shalt  }
0x5e: {  	_ =	shalt  }
0x5f: {  	_ =	shalt  }
0x60: {  	_ =	shalt  }
0x61: {  	_ =	shalt  }
0x62: {  	_ =	shalt  }
0x63: {  	_ =	shalt  }
0x64: {  	_ =	shalt  }
0x65: {  	_ =	shalt  }
0x66: {  	_ =	shalt  }
0x67: {  	_ =	shalt  }
0x68: {  	_ =	shalt  }
0x69: {  	_ =	shalt  }
0x6a: {  	_ =	shalt  }
0x6b: {  	_ =	shalt  }
0x6c: {  	_ =	shalt  }
0x6d: {  	_ =	shalt  }
0x6e: {  	_ =	shalt  }
0x6f: {  	_ =	shalt  }
0x70: {  	_ =	shalt  }
0x71: {  	_ =	shalt  }
0x72: {  	_ =	shalt  }
0x73: {  	_ =	shalt  }
0x74: {  	_ =	shalt  }
0x75: {  	_ =	shalt  }
0x76: {  	_ =	shalt  }
0x77: {  	_ =	shalt  }
0x78: {  	_ =	shalt  }
0x79: {  	_ =	shalt  }
0x7a: {  	_ =	shalt  }
0x7b: {  	_ =	shalt  }
0x7c: {  	_ =	shalt  }
0x7d: {  	_ =	shalt  }
0x7e: {  	_ =	shalt  }
0x7f: {  	_ =	shalt  }
0x80: {  	_ =	shalt  }
0x81: {  	_ =	shalt  }
0x82: {  	_ =	shalt  }
0x83: {  	_ =	shalt  }
0x84: {  	_ =	shalt  }
0x85: {  	_ =	shalt  }
0x86: {  	_ =	shalt  }
0x87: {  	_ =	shalt  }
.Lfunc_end0:
.L_simem_size_0:
called_computation.2_lowered:
.L_overlay_start_0:
0x88: {  	s2 =	sld [smem:$0x3FD9]  }
0x89: {  	s3 =	sld [smem:$0x3FFE];
	_ =	sdelay $0x1  }
0x8a: {  	s1 =	srdreg.scid  }
0x8b: {  	s0 =	sand.u32 $0x1, s1  }
0x8c: {  	s16 =	sshll.u32 s0, $0xA;
	s2 =	sadd.s32 s3, s2  }
0x8d: {  	s2 =	sadd.s32 s2, s16  }
0x8e: {  	[smem:$0x3FC1] =	sst s2  }
0x8f: {  	_ = 	snop  }
0x90: {  	(tm) =	ssettm $0x1  }
0x91: {  	s17 =	sld [smem:$0x3FFB];
	_ =	sdelay $0x3  }
0x92: {  	_ =	strace s17  }
0x93: {  	s2 =	sld [smem:$0x3FFC];
	_ =	sdelay $0x3  }
0x94: {  	_ =	strace s2  }
0x95: {  	s2 =	sld [smem:$0x3FFD];
	_ =	sdelay $0x3  }
0x96: {  	_ =	strace s2  }
0x97: {  	_ =	strace $0x8FFFFFFF  }
0x98: {  	s18 =	sld [smem:$0x3FDB];
	_ =	sdelay $0x1  }
0x99: {  	s19 =	simm.s32 $_scs_section_size  }
0x9a: {  	s4 =	simm.s32 $_size__tile_overlayer_lowered;
	s5 =	simm.s32 $_tile_overlayer_lowered  }
0x9b: {  	s22 =	simm.s32 $0x1BFF;
	s21 =	sshll.u32 s5, $0x1;
	s2 =	sadd.s32 s19, s18  }
0x9c: {  	s6 =	simm.s32 $0x0;
	s20 =	sshll.u32 s4, $0x1;
	s4 =	sadd.s32 s21, s2  }
0x9d: {  	[timem:s6], [sflag:s22] =	dma.local [hbm:s4], s20  }
0x9e: {  	_ =	swait.ge [sflag:s22], s20  }
0x9f: {  	s3 =	ssub.s32 $0x0, s20;
	[sflag:s22] =	ssyncset.done $0x0  }
0xa0: {  	[sflag:s22] =	ssyncadd.s32 s3;
	_ =	sdelay $0x1  }
0xa1: {  	s23 =	simm.s32 $0x1B8B  }
0xa2: {  	_ =	swait.ge [sflag:s23], $0x1  }
0xa3: {  	[sflag:s23] =	ssyncset.done $0x0  }
0xa4: {  	s25 =	simm.s32 $0x1B8E;
	s24 =	sld [smem:$0x3FFE];
	[sflag:s23] =	ssyncadd.s32 $0xFFFFFFFF  }
0xa5: {  	s26 =	simm.s32 $execute0_lowered;
	[smem:$0x3FD2] =	sst s25  }
0xa6: {  	s4 =	sshll.u32 s26, $0x1;
	_ =	strace $0x8000004C;
	[dreg:$0x1] =	wrdreg $0xFFFFFFFF  }
0xa7: {  	s28 =	simm.s32 $_size_execute0_lowered;
	s2 =	sadd.s32 s2, s4;
	[dreg:$0x0] =	wrdreg $0x0  }
0xa8: {  	s4 =	sshll.u32 s28, $0x1;
	[dreg:$0x2] =	wrdreg s2  }
0xa9: {  	[dreg:$0x3] =	wrdreg s4  }
0xaa: {  	[dreg:$0x4] =	wrdreg $0xC0  }
0xab: {  	_ =	task [dreg:s6], $0x5FFFF  }
0xac: {  	[dreg:$0x1] =	wrdreg $0xFFFFFFFF  }
0xad: {  	[dreg:$0x0] =	wrdreg $0x60  }
0xae: {  	[dreg:$0x2] =	wrdreg s24  }
0xaf: {  	[dreg:$0x3] =	wrdreg $0xB7800  }
0xb0: {  	[dreg:$0x4] =	wrdreg $0x9  }
0xb1: {  	_ =	task.clear_ibuf [dreg:s6], $0x5FFFF;
	_ =	strace $0x9000004C  }
0xb2: {  	s29 =	simm.s32 $0x9;
	_ =	strace $0x8000004E  }
0xb3: {  	_ =	swait.ge [sflag:s29], $0x1  }
0xb4: {  	[sflag:s29] =	ssyncadd.s32 $0xFFFFFFFF  }
0xb5: {  	_ =	strace $0x9000004E  }
0xb6: {  	_ =	sfence  }
0xb7: {  	s30 =	sld [smem:$0x0];
	_ =	sdelay $0x2  }
0xb8: {  	s31 =	sshll.u32 s1, $0xD;
	s1 =	sshrl.u32 s1, $0x2  }
0xb9: {  	s3 =	sand.u32 $0x4000, s31;
	s1 =	sadd.s32 s1, s30  }
0xba: {  	s0 =	sor.u32 s3, s0;
	s1 =	sshll.u32 s1, $0x11  }
0xbb: {  	s0 =	sor.u32 s1, s0  }
0xbc: {  	s0 =	sadd.s32 $0x8F2B, s0  }
0xbd: {  	[sflag:s0] =	ssyncadd.remote.s32 $0x1  }
0xbe: {  	_ =	sfence.sel $0xFFFF  }
0xbf: {  	[dreg:$0x0] =	wrdreg $0xFFFFFFFF;
	(pc) =	sbr.abs _section_cstart, $3  }
0xc0: {  	[dreg:$0x1] =	wrdreg $0xFFFFFFFF  }
0xc1: {  	_ =	task.clear_ibuf [dreg:s6], $0x2FFFF;
	_ =	strace $0x9FFFFFFF  }
0xc2: {  	(tm) =	ssettm $0x7FFFFFFF  }
0xc3: {  	_ =	shalt  }
tec
execute0_lowered:
.L_overlay_start_1:
0x0: {  	(tag) =	ssettag $0x1  }
0x1: {  	s7 =	rddreg [dreg:$0x0]  }
0x2: {  	s0 =	srdreg.scid;
	s2 =	rddreg [dreg:$0x1];
	s3 =	simm.s32 $0x0  }
0x3: {  	s14 =	simm.s32 $0x1;
	s15 =	simm.s32 $0x6780;
	s16 =	simm.s32 $0x50  }
0x4: {  	s17 =	simm.s32 $0x8F80;
	s18 =	simm.s32 $0x2;
	s19 =	simm.s32 $0x4  }
0x5: {  	s20 =	simm.s32 $0x3;
	s21 =	simm.s32 $0x6580;
	s5 =	sand.u32 $0x1, s0  }
0x6: {  	s0 =	stileid.u32;
	[smem:$0x7FF] =	sst s3;
	s1 =	sshll.u32 s5, $0x4  }
0x7: {  	s29 =	sshll.u32 s0, $0x7;
	s9 =	smul.u32 $0x28000, s5;
	s10 =	ssub.s32 $0x2, s5  }
0x8: {  	s12 =	smul.u32 $0x50000, s0;
	s5 =	sadd.s32 $0x44E00, s7;
	s23 =	sshll.u32 s0, $0x6  }
0x9: {  	s24 =	smul.u32 $0x2800, s0;
	s6 =	sor.u32 s0, s1;
	s8 =	sand.u32 $0x380, s29  }
0xa: {  	s30 =	sshrl.u32 s10, $0x1;
	s1 =	sshrl.u32 s6, $0x3;
	s6 =	sshll.u32 s6, $0xB  }
0xb: {  	s9 =	sadd.s32 s9, s7;
	s10 =	ssub.s32 s10, s30;
	s31 =	sshrl.u32 s12, $0x2  }
0xc: {  	s12 =	simm.s32 $0x2780;
	s4 =	smul.u32 $0x13C00, s1;
	s1 =	rddreg [dreg:$0x2]  }
0xd: {  	_ =	strace $0x8000004D;
	s11 =	sadd.s32 s6, s7;
	s13 =	sadd.s32 s31, s2  }
0xe: {  	s22 =	sadd.s32 $0x47600, s9;
	s9 =	smax.u32 s10, $0x1;
	s10 =	simm.s32 $0x80  }
0xf: {  	s13 =	sshrl.u32 s13, $0x3;
	s22 =	sadd.s32 s24, s22;
	s4 =	sor.u32 s8, s4  }
0x10: {  	s24 =	simm.s32 $0x0;
	s8 =	sshrl.u32 s4, $0x3;
	s4 =	sadd.s32 $0x1CE00, s7  }
0x11: {  	s8 =	sadd.s32 s8, s7;
	s7 =	sadd.s32 $0x3000, s11;
	s11 =	simm.s32 $0x400  }
0x12: {  	s6 =	sadd.s32 $0x13000, s8;
	s8 =	sor.u32 $0x1C01, s23;
	s23 =	sor.u32 $0x1C04, s23  }
.LBB2_1:
0x13: {  	[tilespmem:s3], [sflag:$0x1] =	stream.strided.gather [hbm4b:s6+s10], $0x2780, s11, s10, $0x38;
	[tilespmem:$0x1F780] =	vst v63  }
0x14: {  	_ = 	snop  }
0x15: {  	[tilespmem:s12], [sflag:$0x1] =	stream.linear.gather [hbm4b:s7+s3], $0x3E80, $0x38;
	[tilespmem:$0x1F780] =	vst v63  }
0x16: {  	[spmem:s13], [sflag:s8] =	dma.local [hbm:s5], $0x2800  }
0x17: {  	_ =	swait.ge [sflag:s14], $0x2780  }
0x18: {  	[sflag:s14] =	ssyncset.done $0x0  }
0x19: {  	[sflag:s14] =	ssyncadd.s32 $0xFFFFD880  }
0x1a: {  	_ =	swait.ge [sflag:s14], $0x3E80  }
0x1b: {  	[sflag:s14] =	ssyncset.done $0x0  }
0x1c: {  	[sflag:s14] =	ssyncadd.s32 $0xFFFFC180  }
0x1d: {  	_ =	swait.ge [sflag:s14], $0x2800  }
0x1e: {  	[sflag:s14] =	ssyncset.done $0x0  }
0x1f: {  	[sflag:s14] =	ssyncadd.s32 $0xFFFFD800  }
0x20: {  	[bflag:$0x0] =	sbarrier.arrive $0xFFFF  }
0x21: {  	[tilespmem:s15], [sflag:$0x2] =	stream.indirect.gather [hbm4b:s4+s16], $0x80, s3, s16, $0xb8;
	[tilespmem:$0x1F780] =	vst v63  }
0x22: {  	_ = 	snop  }
0x23: {  	[tilespmem:s17], [sflag:$0x3] =	stream.indirect.gather [hbm4b:s4+s16], $0x80, s16, s16, $0xb8;
	[tilespmem:$0x1F780] =	vst v63  }
0x24: {  	_ =	swait.ge [sflag:s18], $0x2800  }
0x25: {  	[sflag:s18] =	ssyncset.done $0x0  }
0x26: {  	s25 =	simm.s32 $0x2780;
	[sflag:s18] =	ssyncadd.s32 $0xFFFFD800  }
0x27: {  	[spmem:s2] =	stream.indirect.scatter.add.f32 [tilespmem:s15], [sflag:$0x4], $0x80, s25, s16, $0xb8;
	[tilespmem:$0x1F780] =	vst v63  }
0x28: {  	_ =	swait.ge [sflag:s19], $0x2800  }
0x29: {  	[sflag:s19] =	ssyncset.done $0x0  }
0x2a: {  	s30 =	simm.s32 $0xA0;
	[sflag:s19] =	ssyncadd.s32 $0xFFFFD800  }
0x2b: {  	[tilespmem:s15], [sflag:$0x2] =	stream.indirect.gather [hbm4b:s4+s16], $0x80, s30, s16, $0xb8;
	[tilespmem:$0x1F780] =	vst v63  }
0x2c: {  	_ =	swait.ge [sflag:s20], $0x2800  }
0x2d: {  	[sflag:s20] =	ssyncset.done $0x0  }
0x2e: {  	s31 =	simm.s32 $0x2800;
	[sflag:s20] =	ssyncadd.s32 $0xFFFFD800  }
0x2f: {  	[spmem:s2] =	stream.indirect.scatter.add.f32 [tilespmem:s17], [sflag:$0x4], $0x80, s31, s16, $0xb8;
	[tilespmem:$0x1F780] =	vst v63  }
0x30: {  	_ =	swait.ge [sflag:s19], $0x2800  }
0x31: {  	s26 =	simm.s32 $0x50;
	s25 =	simm.s32 $0x400;
	[sflag:s19] =	ssyncset.done $0x0  }
.LBB2_2:
0x32: {  	p0 =	sne.s32 s25, $0xF400;
	[sflag:s19] =	ssyncadd.s32 $0xFFFFD800;
	s26 =	sadd.s32 $0xA0, s26  }
0x33: {  	[tilespmem:s17], [sflag:$0x3] =	stream.indirect.gather [hbm4b:s4+s16], $0x80, s26, s16, $0xb8;
	[tilespmem:$0x1F780] =	vst v63  }
0x34: {  	s28 =	smov.u32 s25;
	s25 =	sadd.s32 $0x400, s25;
	_ =	swait.ge [sflag:s18], $0x2800  }
0x35: {  	s28 =	sshra.s32 s28, $0x2;
	[sflag:s18] =	ssyncset.done $0x0  }
0x36: {  	s29 =	sadd.s32 $0x2780, s28;
	[sflag:s18] =	ssyncadd.s32 $0xFFFFD800  }
0x37: {  	[spmem:s2] =	stream.indirect.scatter.add.f32 [tilespmem:s15], [sflag:$0x4], $0x80, s29, s16, $0xb8;
	[tilespmem:$0x1F780] =	vst v63  }
0x38: {  	_ =	swait.ge [sflag:s19], $0x2800  }
0x39: {  	[sflag:s19] =	ssyncset.done $0x0  }
0x3a: {  	s29 =	sadd.s32 $0x50, s26;
	[sflag:s19] =	ssyncadd.s32 $0xFFFFD800  }
0x3b: {  	[tilespmem:s15], [sflag:$0x2] =	stream.indirect.gather [hbm4b:s4+s16], $0x80, s29, s16, $0xb8;
	[tilespmem:$0x1F780] =	vst v63  }
0x3c: {  	_ =	swait.ge [sflag:s20], $0x2800  }
.Ltmp0:
0x3d: {  	[sflag:s20] =	ssyncset.done $0x0;
	(pc) =	sbr.rel @p0 .LBB2_2-.Ltmp0, $4  }
0x3e: {  	s28 =	sadd.s32 $0x2800, s28;
	[sflag:s20] =	ssyncadd.s32 $0xFFFFD800  }
0x3f: {  	[spmem:s2] =	stream.indirect.scatter.add.f32 [tilespmem:s17], [sflag:$0x4], $0x80, s28, s16, $0xb8;
	[tilespmem:$0x1F780] =	vst v63  }
0x40: {  	_ =	swait.ge [sflag:s19], $0x2800  }
0x41: {  	[sflag:s19] =	ssyncset.done $0x0  }
0x42: {  	[sflag:s19] =	ssyncadd.s32 $0xFFFFD800  }
0x43: {  	_ =	swait.ge [sflag:s18], $0x2800  }
0x44: {  	[sflag:s18] =	ssyncset.done $0x0  }
0x45: {  	[sflag:s18] =	ssyncadd.s32 $0xFFFFD800  }
0x46: {  	[spmem:s2] =	stream.indirect.scatter.add.f32 [tilespmem:s15], [sflag:$0x4], $0x80, s21, s16, $0xb8;
	[tilespmem:$0x1F780] =	vst v63  }
0x47: {  	_ =	swait.ge [sflag:s19], $0x2800  }
0x48: {  	s24 =	sadd.s32 $0x1, s24;
	[sflag:s19] =	ssyncset.done $0x0  }
0x49: {  	p0 =	sne.s32 s24, s9;
	[sflag:s19] =	ssyncadd.s32 $0xFFFFD800  }
.Ltmp1:
0x4a: {  	[bflag:$0x0] =	sbarrier.arrive $0xFFFF;
	(pc) =	sbr.rel @p0 .LBB2_1-.Ltmp1, $4  }
0x4b: {  	[hbm:s22], [sflag:s23] =	dma.local [spmem:s13], $0x2800  }
0x4c: {  	_ =	swait.ge [sflag:s19], $0x2800  }
0x4d: {  	[sflag:s19] =	ssyncset.done $0x0  }
0x4e: {  	[sflag:s19] =	ssyncadd.s32 $0xFFFFD800  }
0x4f: {  	_ =	sfence.sel $0x180000  }
0x50: {  	[bflag:$0x0] =	sbarrier.arrive $0xFFFF  }
0x51: {  	p0 =	sne.s32 s0, $0x0;
	_ =	strace $0x9000004D  }
0x52: {  	s0 =	sadd.s32 @!p0 $0x100000, s1;
	[bflag:$0x2] =	sbarrier.arrive $0xFFFF  }
0x53: {  	[sflag:s0] =	ssyncadd.tile.s32 @!p0 $0x1;
	_ =	shalt  }
.Lfunc_end2:
_tile_overlayer_lowered:
.L_overlay_start_2:
0x54: {  	(tag) =	ssettag $0x2  }
0x55: {  	s0 =	rddreg [dreg:$0x0];
	s2 =	stileid.u32  }
0x56: {  	s1 =	rddreg [dreg:$0x1];
	p0 =	sne.s32 s2, $0x0  }
0x57: {  	s3 =	rddreg [dreg:$0x2];
	[bflag:$0x3] =	sbarrier.arrive $0xFFFF;
	s2 =	simm.s32 @!p0 $0x1C04  }
0x58: {  	[timem:s3], [sflag:s2] =	dma.local @!p0 [hbm:s0], s1  }
0x59: {  	s0 =	simm.s32 @!p0 $0x4  }
0x5a: {  	_ =	swait.ge @!p0 [sflag:s0], s1  }
0x5b: {  	s1 =	ssub.s32 @!p0 $0x0, s1;
	[sflag:s0] =	ssyncset.done @!p0 $0x0  }
0x5c: {  	[sflag:s0] =	ssyncadd.s32 @!p0 s1  }
0x5d: {  	[bflag:$0x3] =	sbarrier.arrive $0xFFFF  }
0x5e: {  	_ =	shalt  }

</sc_bundles>
